<compile_context>
chip_gen: v7x
topology: tpu7x:2x2x1
jax: 0.10.2.dev20260603
libtpu: 0.0.44.dev20260713+nightly
codegen_flags: <defaults>
</compile_context>

<pallas_src>
import dataclasses
import functools
import math

import jax
import jax.numpy as jnp
from jax import lax
from jax.experimental import pallas as pl
from jax.experimental.pallas import tpu as pltpu
from jax.experimental.pallas import tpu_sc as plsc

HIDDEN = 128
NUM_RBF = 50
CUTOFF = 5.0
N_NODES = 10000
N_EDGES = 320000
WIDTH = CUTOFF / (NUM_RBF - 1)

NC, NS = 2, 16
NW = NC * NS
EPT = N_EDGES // NW
ROWS_PT = N_NODES // NS

_CHUNK_A = 2000
_CB = 40
NCH = EPT // _CB
_QB = 2

def _silu(x):
    return x * jax.nn.sigmoid(x)


@functools.lru_cache(maxsize=None)
def _sc_kernels():
    mesh = plsc.VectorSubcoreMesh(core_axis_name="c", subcore_axis_name="s",
                                  num_cores=NC, num_subcores=NS)
    sc_params = dataclasses.replace(pltpu.CompilerParams(),
                                    needs_layout_passes=False)

    @functools.partial(
        pl.kernel,
        out_type=jax.ShapeDtypeStruct((N_EDGES,), jnp.float32),
        mesh=mesh,
        compiler_params=sc_params,
        scratch_types=[
            pltpu.VMEM((N_NODES * 3,), jnp.float32),
            pltpu.VMEM((_CHUNK_A,), jnp.int32),
            pltpu.VMEM((_CHUNK_A,), jnp.int32),
            pltpu.VMEM((_CHUNK_A,), jnp.float32),
        ],
    )
    def dist2(pos_hbm, row_hbm, col_hbm, d2_hbm, pos_v, row_v, col_v, d2_v):
        wid = lax.axis_index("s") * NC + lax.axis_index("c")
        base = wid * EPT
        pltpu.sync_copy(pos_hbm, pos_v)

        @pl.loop(0, EPT, step=_CHUNK_A)
        def _(off):
            pltpu.sync_copy(row_hbm.at[pl.ds(base + off, _CHUNK_A)], row_v)
            pltpu.sync_copy(col_hbm.at[pl.ds(base + off, _CHUNK_A)], col_v)

            @pl.loop(0, _CHUNK_A, step=16)
            def _(i):
                rv = row_v[pl.ds(i, 16)] * 3
                cv = col_v[pl.ds(i, 16)] * 3
                dx = plsc.load_gather(pos_v, [rv]) - plsc.load_gather(pos_v, [cv])
                dy = plsc.load_gather(pos_v, [rv + 1]) - plsc.load_gather(pos_v, [cv + 1])
                dz = plsc.load_gather(pos_v, [rv + 2]) - plsc.load_gather(pos_v, [cv + 2])
                d2_v[pl.ds(i, 16)] = dx * dx + dy * dy + dz * dz

            pltpu.sync_copy(d2_v, d2_hbm.at[pl.ds(base + off, _CHUNK_A)])

    @functools.partial(
        pl.kernel,
        out_type=jax.ShapeDtypeStruct((NC, NS, ROWS_PT, HIDDEN), jnp.float32),
        mesh=mesh,
        compiler_params=sc_params,
        scratch_types=[
            [pltpu.VMEM((2 * _CB,), jnp.int32) for _ in range(2)],
            [pltpu.VMEM((_CB,), jnp.int32) for _ in range(_QB)],
            [pltpu.VMEM((_CB, HIDDEN), jnp.float32) for _ in range(_QB)],
            [pltpu.VMEM((_CB, HIDDEN), jnp.float32) for _ in range(_QB)],
            pltpu.VMEM((2 * _CB, HIDDEN), jnp.float32),
            pltpu.VMEM_SHARED((N_NODES, HIDDEN), jnp.float32),
            pltpu.SemaphoreType.DMA,
            pltpu.SemaphoreType.DMA,
            pltpu.SemaphoreType.DMA,
            pltpu.SemaphoreType.DMA,
            pltpu.SemaphoreType.DMA,
        ],
    )
    def msg_agg(h_hbm, wf_hbm, row_hbm, col_hbm, out_hbm,
                row_v, col_v, hbufs, wbufs, mbuf, agg_sh,
                gsem, wsem, ssem, isem, rsem):
        c = lax.axis_index("c")
        s = lax.axis_index("s")
        wid = s * NC + c
        base = wid * EPT
        NPAIR = NCH // 2

        @pl.loop(0, 2 * _CB)
        def _(i):
            for j in range(HIDDEN // 16):
                mbuf[i, pl.ds(j * 16, 16)] = jnp.zeros((16,), jnp.float32)

        _off = 0
        while _off < ROWS_PT:
            _n = min(2 * _CB, ROWS_PT - _off)
            pltpu.sync_copy(mbuf.at[pl.ds(0, _n)],
                            agg_sh.at[pl.ds(s * ROWS_PT + _off, _n)])
            _off += _n
        plsc.subcore_barrier()

        for k in range(_QB):
            pltpu.async_copy(col_hbm.at[pl.ds(base + k * _CB, _CB)],
                             col_v[k], isem)

        @pl.loop(0, NPAIR)
        def _(t):
            j0 = t * 2
            even = (t & 1) == 0
            odd = jnp.logical_not(even)

            for k in range(_QB):
                pltpu.make_async_copy(col_hbm.at[pl.ds(base, _CB)],
                                      col_v[k], isem).wait()
            gcps = [pltpu.async_copy(h_hbm.at[col_v[k]], hbufs[k], gsem)
                    for k in range(_QB)]

            @pl.when(even)
            def _():
                pltpu.async_copy(
                    row_hbm.at[pl.ds(base + j0 * _CB, 2 * _CB)], row_v[0],
                    rsem)

            @pl.when(odd)
            def _():
                pltpu.async_copy(
                    row_hbm.at[pl.ds(base + j0 * _CB, 2 * _CB)], row_v[1],
                    rsem)

            wcps = [pltpu.async_copy(
                wf_hbm.at[pl.ds(base + (j0 + k) * _CB, _CB)], wbufs[k], wsem)
                for k in range(_QB)]

            @pl.when(t > 0)
            def _():
                pltpu.make_async_copy(mbuf, agg_sh.at[row_v[0]], ssem).wait()

            for k in range(_QB):
                gcps[k].wait()
                wcps[k].wait()

            @pl.when(t + 1 < NPAIR)
            def _():
                for k in range(_QB):
                    pltpu.async_copy(
                        col_hbm.at[pl.ds(base + (j0 + 2 + k) * _CB, _CB)],
                        col_v[k], isem)

            for k in range(_QB):
                hb, wb = hbufs[k], wbufs[k]

                @pl.loop(0, _CB)
                def _(i):
                    for jc in range(HIDDEN // 16):
                        sl = pl.ds(jc * 16, 16)
                        mbuf[k * _CB + i, sl] = hb[i, sl] * wb[i, sl]

            pltpu.make_async_copy(row_hbm.at[pl.ds(base, 2 * _CB)], row_v[0],
                                  rsem).wait()
            last = t == NPAIR - 1

            @pl.when(jnp.logical_and(even, jnp.logical_not(last)))
            def _():
                pltpu.async_copy(mbuf, agg_sh.at[row_v[0]], ssem, add=True)

            @pl.when(jnp.logical_and(odd, jnp.logical_not(last)))
            def _():
                pltpu.async_copy(mbuf, agg_sh.at[row_v[1]], ssem, add=True)

            @pl.when(last)
            def _():
                pltpu.sync_copy(mbuf, agg_sh.at[row_v[0]], add=True)

        plsc.subcore_barrier()
        pltpu.sync_copy(agg_sh.at[pl.ds(s * ROWS_PT, ROWS_PT)],
                        out_hbm.at[c, s])

    return dist2, msg_agg


_BE = 2000

_CUT_COEF = [
    1.0,
    -4.934802200544679,
    4.058712126416768,
    -1.3352627688545895,
    0.2353306303588932,
    -0.02580689139001406,
    0.0019295743094039231,
    -0.00010463810492484565,
    4.303069587032081e-06,
    -1.3878952462213771e-07,
    3.5943139226189845e-09,
]


def _filter_body(d2_ref, W1_ref, b1_ref, W2_ref, b2_ref, out_ref):
    d2r = d2_ref[...].reshape(1, _BE)
    u = d2r * (1.0 / (CUTOFF * CUTOFF))
    acc = jnp.full_like(u, _CUT_COEF[-1])
    for cc in _CUT_COEF[-2::-1]:
        acc = acc * u + cc
    cutr = 0.5 * (acc + 1.0)
    cutr = jnp.where(d2r <= CUTOFF * CUTOFF, cutr, 0.0)
    dwr = jnp.sqrt(d2r + 1e-8) * (0.7071067811865476 / WIDTH)
    cols = jnp.transpose(jnp.concatenate([dwr, cutr], axis=0))
    dw = cols[:, 0:1]
    cut = cols[:, 1:2]
    ks = (lax.broadcasted_iota(jnp.int32, (1, NUM_RBF), 1).astype(jnp.float32)
          * 0.7071067811865476)
    z = dw - ks
    rbf = jnp.exp(z * (ks - dw))
    hmid = _silu(jnp.dot(rbf, W1_ref[...], preferred_element_type=jnp.float32)
                 + b1_ref[...])
    filt = jnp.dot(hmid, W2_ref[...], preferred_element_type=jnp.float32) + b2_ref[...]
    out_ref[...] = filt * cut


def _filter(d2, W1, b1, W2, b2):
    return pl.pallas_call(
        _filter_body,
        grid=(N_EDGES // _BE,),
        in_specs=[
            pl.BlockSpec((1, 1, _BE), lambda i: (i, 0, 0)),
            pl.BlockSpec((NUM_RBF, HIDDEN), lambda i: (0, 0)),
            pl.BlockSpec((1, HIDDEN), lambda i: (0, 0)),
            pl.BlockSpec((HIDDEN, HIDDEN), lambda i: (0, 0)),
            pl.BlockSpec((1, HIDDEN), lambda i: (0, 0)),
        ],
        out_specs=pl.BlockSpec((_BE, HIDDEN), lambda i: (i, 0)),
        out_shape=jax.ShapeDtypeStruct((N_EDGES, HIDDEN), jnp.float32),
    )(d2, W1, b1, W2, b2)


_BN = 1000


def _node_body(h_ref, p0_ref, p1_ref, W3_ref, b3_ref, W4_ref, b4_ref, out_ref):
    agg = p0_ref[...] + p1_ref[...]
    t = _silu(jnp.dot(agg, W3_ref[...], preferred_element_type=jnp.float32)
              + b3_ref[...])
    out_ref[...] = (h_ref[...]
                    + jnp.dot(t, W4_ref[...], preferred_element_type=jnp.float32)
                    + b4_ref[...])


def _node(h, p0, p1, W3, b3, W4, b4):
    return pl.pallas_call(
        _node_body,
        grid=(N_NODES // _BN,),
        in_specs=[
            pl.BlockSpec((_BN, HIDDEN), lambda i: (i, 0)),
            pl.BlockSpec((_BN, HIDDEN), lambda i: (i, 0)),
            pl.BlockSpec((_BN, HIDDEN), lambda i: (i, 0)),
            pl.BlockSpec((HIDDEN, HIDDEN), lambda i: (0, 0)),
            pl.BlockSpec((1, HIDDEN), lambda i: (0, 0)),
            pl.BlockSpec((HIDDEN, HIDDEN), lambda i: (0, 0)),
            pl.BlockSpec((1, HIDDEN), lambda i: (0, 0)),
        ],
        out_specs=pl.BlockSpec((_BN, HIDDEN), lambda i: (i, 0)),
        out_shape=jax.ShapeDtypeStruct((N_NODES, HIDDEN), jnp.float32),
    )(h, p0, p1, W3, b3, W4, b4)


def kernel(h, pos, edge_index, W1, b1, W2, b2, W3, b3, W4, b4):
    row = edge_index[0].astype(jnp.int32)
    col = edge_index[1].astype(jnp.int32)
    pos_flat = jnp.reshape(pos.astype(jnp.float32), (-1,))
    dist2, msg_agg = _sc_kernels()
    d2 = dist2(pos_flat, row, col)
    wf = _filter(d2.reshape(N_EDGES // _BE, 1, _BE), W1, b1.reshape(1, HIDDEN),
                 W2, b2.reshape(1, HIDDEN))
    parts = msg_agg(h, wf, row, col).reshape(NC, N_NODES, HIDDEN)
    return _node(h, parts[0], parts[1], W3, b3.reshape(1, HIDDEN),
                 W4, b4.reshape(1, HIDDEN))

# --- scband reference (transcript-rebuilt; emitter-appended) ---
"""Pipeline reference for scband-sch-net-layer-73993696575522 (READ-ONLY COPY).

The authoritative reference and input builder live on the scoring server;
editing this copy changes nothing except your own understanding.
"""

import math
import jax, jax.numpy as jnp
import numpy as np

HIDDEN = 128
NUM_RBF = 50
CUTOFF = 5.0
N_NODES = 10000
N_EDGES = 320000


def silu(x):
    return x * jax.nn.sigmoid(x)


def setup_inputs(seed: int = 0) -> dict:
    key = jax.random.key(seed)
    ks = jax.random.split(key, 12)
    h = jax.random.normal(ks[0], (N_NODES, HIDDEN), dtype=jnp.float32)
    pos = jax.random.normal(ks[1], (N_NODES, 3), dtype=jnp.float32)
    edge_index = jax.random.randint(ks[2], (2, N_EDGES), 0, N_NODES, dtype=jnp.int64)
    # filter_net: Linear(num_rbf, hidden) -> SiLU -> Linear(hidden, hidden)
    W1 = jax.random.normal(ks[3], (NUM_RBF, HIDDEN), dtype=jnp.float32) / math.sqrt(NUM_RBF)
    b1 = jnp.zeros((HIDDEN,), dtype=jnp.float32)
    W2 = jax.random.normal(ks[4], (HIDDEN, HIDDEN), dtype=jnp.float32) / math.sqrt(HIDDEN)
    b2 = jnp.zeros((HIDDEN,), dtype=jnp.float32)
    # interaction: Linear(hidden, hidden) -> SiLU -> Linear(hidden, hidden)
    W3 = jax.random.normal(ks[5], (HIDDEN, HIDDEN), dtype=jnp.float32) / math.sqrt(HIDDEN)
    b3 = jnp.zeros((HIDDEN,), dtype=jnp.float32)
    W4 = jax.random.normal(ks[6], (HIDDEN, HIDDEN), dtype=jnp.float32) / math.sqrt(HIDDEN)
    b4 = jnp.zeros((HIDDEN,), dtype=jnp.float32)
    return {"h": h, "pos": pos, "edge_index": edge_index,
            "W1": W1, "b1": b1, "W2": W2, "b2": b2,
            "W3": W3, "b3": b3, "W4": W4, "b4": b4}


def reference(h, pos, edge_index, W1, b1, W2, b2, W3, b3, W4, b4):
    row = edge_index[0]
    col = edge_index[1]
    # pairwise distances
    diff = pos[row] - pos[col]
    dist = jnp.sqrt(jnp.sum(diff ** 2, axis=-1) + 1e-08)
    # Gaussian RBF expansion
    offsets = jnp.linspace(0.0, CUTOFF, NUM_RBF)
    width = (offsets[1] - offsets[0])
    rbf = jnp.exp(-0.5 * ((dist[:, None] - offsets[None, :]) / width) ** 2)
    # filter network
    filt = silu(rbf @ W1 + b1) @ W2 + b2
    # cosine cutoff
    cut = 0.5 * (jnp.cos(math.pi * dist / CUTOFF) + 1.0) * (dist <= CUTOFF).astype(jnp.float32)
    w_filt = filt * cut[:, None]
    # continuous-filter convolution: gather messages then scatter-add
    msgs = h[col] * w_filt
    agg = jnp.zeros_like(h).at[row].add(msgs)
    # interaction network (dropout=0 -> identity)
    out = h + (silu(agg @ W3 + b3) @ W4 + b4)
    return out

if __name__ == "__main__":
    import jax
    _d = setup_inputs()
    print(jax.jit(kernel)(*tuple(_d.values())))

</pallas_src>

<mosaic_0001>
#map = affine_map<(d0, d1) -> (0, 0)>
#map1 = affine_map<(d0, d1) -> (0)>
#map2 = affine_map<(d0, d1) -> (0, 0, 0, 0)>
module attributes {stable_mosaic.version = 14 : i64} {
  func.func @msg_agg(%arg0: i32, %arg1: i32, %arg2: memref<10000x128xf32, #tpu.memory_space<hbm>>, %arg3: memref<320000x128xf32, #tpu.memory_space<hbm>>, %arg4: memref<320000xi32, #tpu.memory_space<hbm>>, %arg5: memref<320000xi32, #tpu.memory_space<hbm>>, %arg6: memref<2x16x625x128xf32, #tpu.memory_space<hbm>>, %arg7: memref<80xi32, #tpu.memory_space<vmem>>, %arg8: memref<80xi32, #tpu.memory_space<vmem>>, %arg9: memref<40xi32, #tpu.memory_space<vmem>>, %arg10: memref<40xi32, #tpu.memory_space<vmem>>, %arg11: memref<40x128xf32, #tpu.memory_space<vmem>>, %arg12: memref<40x128xf32, #tpu.memory_space<vmem>>, %arg13: memref<40x128xf32, #tpu.memory_space<vmem>>, %arg14: memref<40x128xf32, #tpu.memory_space<vmem>>, %arg15: memref<80x128xf32, #tpu.memory_space<vmem>>, %arg16: memref<10000x128xf32, #tpu.memory_space<vmem_shared>>, %arg17: memref<!tpu.dma_semaphore, #tpu.memory_space<semaphore_mem>>, %arg18: memref<!tpu.dma_semaphore, #tpu.memory_space<semaphore_mem>>, %arg19: memref<!tpu.dma_semaphore, #tpu.memory_space<semaphore_mem>>, %arg20: memref<!tpu.dma_semaphore, #tpu.memory_space<semaphore_mem>>, %arg21: memref<!tpu.dma_semaphore, #tpu.memory_space<semaphore_mem>>) attributes {dimension_semantics = [#tpu.dimension_semantics<core_parallel>, #tpu.dimension_semantics<subcore_parallel>], iteration_bounds = array<i64: 2, 16>, scalar_prefetch = 0 : i64, scratch_operands = 15 : i64, tpu.core_type = #tpu.core_type<sc_vector_subcore>, window_params = [{transform_indices = #map}, {transform_indices = #map}, {transform_indices = #map1}, {transform_indices = #map1}, {transform_indices = #map2}]} {
    %mul3A = arith.constant 2 : i32
    %mul3A_0 = arith.muli %arg1, %mul3A : i32
    %add3A = arith.addi %mul3A_0, %arg0 : i32
    %mul3A_1 = arith.constant 10000 : i32
    %mul3A_2 = arith.muli %add3A, %mul3A_1 : i32
    %scan3A = arith.constant 0 : i32
    %scan3A_3 = arith.constant 80 : i32
    %scan3A_4 = arith.addi %scan3A, %scan3A_3 : i32
    %scan3A_5 = arith.constant 1 : i32
    scf.for %scan3A_54 = %scan3A to %scan3A_4 step %scan3A_5  : i32 {
      %mul3A_55 = arith.constant 1 : i32
      %mul3A_56 = arith.muli %scan3A_54, %mul3A_55 : i32
      %add3A_57 = arith.constant 0 : i32
      %add3A_58 = arith.addi %add3A_57, %mul3A_56 : i32
      %broadcast_in_dim3A = arith.constant 0.000000e+00 : f32
      %broadcast_in_dim3A_59 = vector.broadcast %broadcast_in_dim3A : f32 to vector<16xf32>
      %swap3A = arith.index_cast %add3A_58 : i32 to index
      %swap3A_60 = arith.constant 0 : index
      %swap3A_61 = tpu.vector_load %arg15[%swap3A, %swap3A_60] {strides = array<i32>} : memref<80x128xf32, #tpu.memory_space<vmem>>, vector<16xf32>,
      tpu.vector_store %arg15[%swap3A, %swap3A_60], %broadcast_in_dim3A_59 {strides = array<i32>} : memref<80x128xf32, #tpu.memory_space<vmem>>, vector<16xf32>,
      %broadcast_in_dim3A_62 = arith.constant 0.000000e+00 : f32
      %broadcast_in_dim3A_63 = vector.broadcast %broadcast_in_dim3A_62 : f32 to vector<16xf32>
      %swap3A_64 = arith.index_cast %add3A_58 : i32 to index
      %swap3A_65 = arith.constant 16 : index
      %swap3A_66 = tpu.vector_load %arg15[%swap3A_64, %swap3A_65] {strides = array<i32>} : memref<80x128xf32, #tpu.memory_space<vmem>>, vector<16xf32>,
      tpu.vector_store %arg15[%swap3A_64, %swap3A_65], %broadcast_in_dim3A_63 {strides = array<i32>} : memref<80x128xf32, #tpu.memory_space<vmem>>, vector<16xf32>,
      %broadcast_in_dim3A_67 = arith.constant 0.000000e+00 : f32
      %broadcast_in_dim3A_68 = vector.broadcast %broadcast_in_dim3A_67 : f32 to vector<16xf32>
      %swap3A_69 = arith.index_cast %add3A_58 : i32 to index
      %swap3A_70 = arith.constant 32 : index
      %swap3A_71 = tpu.vector_load %arg15[%swap3A_69, %swap3A_70] {strides = array<i32>} : memref<80x128xf32, #tpu.memory_space<vmem>>, vector<16xf32>,
      tpu.vector_store %arg15[%swap3A_69, %swap3A_70], %broadcast_in_dim3A_68 {strides = array<i32>} : memref<80x128xf32, #tpu.memory_space<vmem>>, vector<16xf32>,
      %broadcast_in_dim3A_72 = arith.constant 0.000000e+00 : f32
      %broadcast_in_dim3A_73 = vector.broadcast %broadcast_in_dim3A_72 : f32 to vector<16xf32>
      %swap3A_74 = arith.index_cast %add3A_58 : i32 to index
      %swap3A_75 = arith.constant 48 : index
      %swap3A_76 = tpu.vector_load %arg15[%swap3A_74, %swap3A_75] {strides = array<i32>} : memref<80x128xf32, #tpu.memory_space<vmem>>, vector<16xf32>,
      tpu.vector_store %arg15[%swap3A_74, %swap3A_75], %broadcast_in_dim3A_73 {strides = array<i32>} : memref<80x128xf32, #tpu.memory_space<vmem>>, vector<16xf32>,
      %broadcast_in_dim3A_77 = arith.constant 0.000000e+00 : f32
      %broadcast_in_dim3A_78 = vector.broadcast %broadcast_in_dim3A_77 : f32 to vector<16xf32>
      %swap3A_79 = arith.index_cast %add3A_58 : i32 to index
      %swap3A_80 = arith.constant 64 : index
      %swap3A_81 = tpu.vector_load %arg15[%swap3A_79, %swap3A_80] {strides = array<i32>} : memref<80x128xf32, #tpu.memory_space<vmem>>, vector<16xf32>,
      tpu.vector_store %arg15[%swap3A_79, %swap3A_80], %broadcast_in_dim3A_78 {strides = array<i32>} : memref<80x128xf32, #tpu.memory_space<vmem>>, vector<16xf32>,
      %broadcast_in_dim3A_82 = arith.constant 0.000000e+00 : f32
      %broadcast_in_dim3A_83 = vector.broadcast %broadcast_in_dim3A_82 : f32 to vector<16xf32>
      %swap3A_84 = arith.index_cast %add3A_58 : i32 to index
      %swap3A_85 = arith.constant 80 : index
      %swap3A_86 = tpu.vector_load %arg15[%swap3A_84, %swap3A_85] {strides = array<i32>} : memref<80x128xf32, #tpu.memory_space<vmem>>, vector<16xf32>,
      tpu.vector_store %arg15[%swap3A_84, %swap3A_85], %broadcast_in_dim3A_83 {strides = array<i32>} : memref<80x128xf32, #tpu.memory_space<vmem>>, vector<16xf32>,
      %broadcast_in_dim3A_87 = arith.constant 0.000000e+00 : f32
      %broadcast_in_dim3A_88 = vector.broadcast %broadcast_in_dim3A_87 : f32 to vector<16xf32>
      %swap3A_89 = arith.index_cast %add3A_58 : i32 to index
      %swap3A_90 = arith.constant 96 : index
      %swap3A_91 = tpu.vector_load %arg15[%swap3A_89, %swap3A_90] {strides = array<i32>} : memref<80x128xf32, #tpu.memory_space<vmem>>, vector<16xf32>,
      tpu.vector_store %arg15[%swap3A_89, %swap3A_90], %broadcast_in_dim3A_88 {strides = array<i32>} : memref<80x128xf32, #tpu.memory_space<vmem>>, vector<16xf32>,
      %broadcast_in_dim3A_92 = arith.constant 0.000000e+00 : f32
      %broadcast_in_dim3A_93 = vector.broadcast %broadcast_in_dim3A_92 : f32 to vector<16xf32>
      %swap3A_94 = arith.index_cast %add3A_58 : i32 to index
      %swap3A_95 = arith.constant 112 : index
      %swap3A_96 = tpu.vector_load %arg15[%swap3A_94, %swap3A_95] {strides = array<i32>} : memref<80x128xf32, #tpu.memory_space<vmem>>, vector<16xf32>,
      tpu.vector_store %arg15[%swap3A_94, %swap3A_95], %broadcast_in_dim3A_93 {strides = array<i32>} : memref<80x128xf32, #tpu.memory_space<vmem>>, vector<16xf32>,
    }
    %scan3A_6 = arith.constant 80 : i32
    %mul3A_7 = arith.constant 625 : i32
    %mul3A_8 = arith.muli %arg1, %mul3A_7 : i32
    %add3A_9 = arith.constant 0 : i32
    %add3A_10 = arith.addi %mul3A_8, %add3A_9 : i32
    "tpu.region"() ({
      %run_scoped3A = tpu.sem_alloc : memref<!tpu.dma_semaphore, #tpu.memory_space<semaphore_mem>>
      %dma_start3A_54 = arith.constant 0 : i32
      %dma_start3A_55 = arith.constant 0 : i32
      %dma_start3A_56 = tpu.memref_slice %arg15[%dma_start3A_54, %dma_start3A_55] : memref<80x128xf32, #tpu.memory_space<vmem>> -> memref<80x128xf32, #tpu.memory_space<vmem>>
      %dma_start3A_57 = arith.constant 0 : i32
      %dma_start3A_58 = tpu.memref_slice %arg16[%add3A_10, %dma_start3A_57] : memref<10000x128xf32, #tpu.memory_space<vmem_shared>> -> memref<80x128xf32, #tpu.memory_space<vmem_shared>>
      %dma_start3A_59 = arith.constant 0 : i32
      %dma_start3A_60 = tpu.memref_slice %arg16[%add3A_10, %dma_start3A_59] : memref<10000x128xf32, #tpu.memory_space<vmem_shared>> -> memref<80x128xf32, #tpu.memory_space<vmem_shared>>
      %dma_start3A_61 = arith.constant 0 : i32
      %dma_start3A_62 = arith.constant 0 : i32
      %dma_start3A_63 = tpu.memref_slice %arg15[%dma_start3A_61, %dma_start3A_62] : memref<80x128xf32, #tpu.memory_space<vmem>> -> memref<80x128xf32, #tpu.memory_space<vmem>>
      tpu.enqueue_dma source(%dma_start3A_63 : memref<80x128xf32, #tpu.memory_space<vmem>>) target(%dma_start3A_60 : memref<80x128xf32, #tpu.memory_space<vmem_shared>>) target_semaphore(%run_scoped3A : memref<!tpu.dma_semaphore, #tpu.memory_space<semaphore_mem>>)
      %dma_wait3A = arith.constant 0 : i32
      %dma_wait3A_64 = arith.constant 0 : i32
      %dma_wait3A_65 = tpu.memref_slice %arg15[%dma_wait3A, %dma_wait3A_64] : memref<80x128xf32, #tpu.memory_space<vmem>> -> memref<80x128xf32, #tpu.memory_space<vmem>>
      %dma_wait3A_66 = arith.constant 0 : i32
      %dma_wait3A_67 = tpu.memref_slice %arg16[%add3A_10, %dma_wait3A_66] : memref<10000x128xf32, #tpu.memory_space<vmem_shared>> -> memref<80x128xf32, #tpu.memory_space<vmem_shared>>
      %dma_wait3A_68 = arith.constant 0 : i32
      %dma_wait3A_69 = tpu.memref_slice %arg16[%add3A_10, %dma_wait3A_68] : memref<10000x128xf32, #tpu.memory_space<vmem_shared>> -> memref<80x128xf32, #tpu.memory_space<vmem_shared>>
      %dma_wait3A_70 = arith.constant 0 : i32
      %dma_wait3A_71 = arith.constant 0 : i32
      %dma_wait3A_72 = tpu.memref_slice %arg15[%dma_wait3A_70, %dma_wait3A_71] : memref<80x128xf32, #tpu.memory_space<vmem>> -> memref<80x128xf32, #tpu.memory_space<vmem>>
      tpu.wait_dma2 semaphore(%run_scoped3A : memref<!tpu.dma_semaphore, #tpu.memory_space<semaphore_mem>>) src(%dma_wait3A_72 : memref<80x128xf32, #tpu.memory_space<vmem>>) dst(%dma_wait3A_69 : memref<80x128xf32, #tpu.memory_space<vmem_shared>>)
      tpu.yield
    }) : () -> ()
    %mul3A_11 = arith.constant 625 : i32
    %mul3A_12 = arith.muli %arg1, %mul3A_11 : i32
    %add3A_13 = arith.constant 80 : i32
    %add3A_14 = arith.addi %mul3A_12, %add3A_13 : i32
    "tpu.region"() ({
      %run_scoped3A = tpu.sem_alloc : memref<!tpu.dma_semaphore, #tpu.memory_space<semaphore_mem>>
      %dma_start3A_54 = arith.constant 0 : i32
      %dma_start3A_55 = arith.constant 0 : i32
      %dma_start3A_56 = tpu.memref_slice %arg15[%dma_start3A_54, %dma_start3A_55] : memref<80x128xf32, #tpu.memory_space<vmem>> -> memref<80x128xf32, #tpu.memory_space<vmem>>
      %dma_start3A_57 = arith.constant 0 : i32
      %dma_start3A_58 = tpu.memref_slice %arg16[%add3A_14, %dma_start3A_57] : memref<10000x128xf32, #tpu.memory_space<vmem_shared>> -> memref<80x128xf32, #tpu.memory_space<vmem_shared>>
      %dma_start3A_59 = arith.constant 0 : i32
      %dma_start3A_60 = tpu.memref_slice %arg16[%add3A_14, %dma_start3A_59] : memref<10000x128xf32, #tpu.memory_space<vmem_shared>> -> memref<80x128xf32, #tpu.memory_space<vmem_shared>>
      %dma_start3A_61 = arith.constant 0 : i32
      %dma_start3A_62 = arith.constant 0 : i32
      %dma_start3A_63 = tpu.memref_slice %arg15[%dma_start3A_61, %dma_start3A_62] : memref<80x128xf32, #tpu.memory_space<vmem>> -> memref<80x128xf32, #tpu.memory_space<vmem>>
      tpu.enqueue_dma source(%dma_start3A_63 : memref<80x128xf32, #tpu.memory_space<vmem>>) target(%dma_start3A_60 : memref<80x128xf32, #tpu.memory_space<vmem_shared>>) target_semaphore(%run_scoped3A : memref<!tpu.dma_semaphore, #tpu.memory_space<semaphore_mem>>)
      %dma_wait3A = arith.constant 0 : i32
      %dma_wait3A_64 = arith.constant 0 : i32
      %dma_wait3A_65 = tpu.memref_slice %arg15[%dma_wait3A, %dma_wait3A_64] : memref<80x128xf32, #tpu.memory_space<vmem>> -> memref<80x128xf32, #tpu.memory_space<vmem>>
      %dma_wait3A_66 = arith.constant 0 : i32
      %dma_wait3A_67 = tpu.memref_slice %arg16[%add3A_14, %dma_wait3A_66] : memref<10000x128xf32, #tpu.memory_space<vmem_shared>> -> memref<80x128xf32, #tpu.memory_space<vmem_shared>>
      %dma_wait3A_68 = arith.constant 0 : i32
      %dma_wait3A_69 = tpu.memref_slice %arg16[%add3A_14, %dma_wait3A_68] : memref<10000x128xf32, #tpu.memory_space<vmem_shared>> -> memref<80x128xf32, #tpu.memory_space<vmem_shared>>
      %dma_wait3A_70 = arith.constant 0 : i32
      %dma_wait3A_71 = arith.constant 0 : i32
      %dma_wait3A_72 = tpu.memref_slice %arg15[%dma_wait3A_70, %dma_wait3A_71] : memref<80x128xf32, #tpu.memory_space<vmem>> -> memref<80x128xf32, #tpu.memory_space<vmem>>
      tpu.wait_dma2 semaphore(%run_scoped3A : memref<!tpu.dma_semaphore, #tpu.memory_space<semaphore_mem>>) src(%dma_wait3A_72 : memref<80x128xf32, #tpu.memory_space<vmem>>) dst(%dma_wait3A_69 : memref<80x128xf32, #tpu.memory_space<vmem_shared>>)
      tpu.yield
    }) : () -> ()
    %mul3A_15 = arith.constant 625 : i32
    %mul3A_16 = arith.muli %arg1, %mul3A_15 : i32
    %add3A_17 = arith.constant 160 : i32
    %add3A_18 = arith.addi %mul3A_16, %add3A_17 : i32
    "tpu.region"() ({
      %run_scoped3A = tpu.sem_alloc : memref<!tpu.dma_semaphore, #tpu.memory_space<semaphore_mem>>
      %dma_start3A_54 = arith.constant 0 : i32
      %dma_start3A_55 = arith.constant 0 : i32
      %dma_start3A_56 = tpu.memref_slice %arg15[%dma_start3A_54, %dma_start3A_55] : memref<80x128xf32, #tpu.memory_space<vmem>> -> memref<80x128xf32, #tpu.memory_space<vmem>>
      %dma_start3A_57 = arith.constant 0 : i32
      %dma_start3A_58 = tpu.memref_slice %arg16[%add3A_18, %dma_start3A_57] : memref<10000x128xf32, #tpu.memory_space<vmem_shared>> -> memref<80x128xf32, #tpu.memory_space<vmem_shared>>
      %dma_start3A_59 = arith.constant 0 : i32
      %dma_start3A_60 = tpu.memref_slice %arg16[%add3A_18, %dma_start3A_59] : memref<10000x128xf32, #tpu.memory_space<vmem_shared>> -> memref<80x128xf32, #tpu.memory_space<vmem_shared>>
      %dma_start3A_61 = arith.constant 0 : i32
      %dma_start3A_62 = arith.constant 0 : i32
      %dma_start3A_63 = tpu.memref_slice %arg15[%dma_start3A_61, %dma_start3A_62] : memref<80x128xf32, #tpu.memory_space<vmem>> -> memref<80x128xf32, #tpu.memory_space<vmem>>
      tpu.enqueue_dma source(%dma_start3A_63 : memref<80x128xf32, #tpu.memory_space<vmem>>) target(%dma_start3A_60 : memref<80x128xf32, #tpu.memory_space<vmem_shared>>) target_semaphore(%run_scoped3A : memref<!tpu.dma_semaphore, #tpu.memory_space<semaphore_mem>>)
      %dma_wait3A = arith.constant 0 : i32
      %dma_wait3A_64 = arith.constant 0 : i32
      %dma_wait3A_65 = tpu.memref_slice %arg15[%dma_wait3A, %dma_wait3A_64] : memref<80x128xf32, #tpu.memory_space<vmem>> -> memref<80x128xf32, #tpu.memory_space<vmem>>
      %dma_wait3A_66 = arith.constant 0 : i32
      %dma_wait3A_67 = tpu.memref_slice %arg16[%add3A_18, %dma_wait3A_66] : memref<10000x128xf32, #tpu.memory_space<vmem_shared>> -> memref<80x128xf32, #tpu.memory_space<vmem_shared>>
      %dma_wait3A_68 = arith.constant 0 : i32
      %dma_wait3A_69 = tpu.memref_slice %arg16[%add3A_18, %dma_wait3A_68] : memref<10000x128xf32, #tpu.memory_space<vmem_shared>> -> memref<80x128xf32, #tpu.memory_space<vmem_shared>>
      %dma_wait3A_70 = arith.constant 0 : i32
      %dma_wait3A_71 = arith.constant 0 : i32
      %dma_wait3A_72 = tpu.memref_slice %arg15[%dma_wait3A_70, %dma_wait3A_71] : memref<80x128xf32, #tpu.memory_space<vmem>> -> memref<80x128xf32, #tpu.memory_space<vmem>>
      tpu.wait_dma2 semaphore(%run_scoped3A : memref<!tpu.dma_semaphore, #tpu.memory_space<semaphore_mem>>) src(%dma_wait3A_72 : memref<80x128xf32, #tpu.memory_space<vmem>>) dst(%dma_wait3A_69 : memref<80x128xf32, #tpu.memory_space<vmem_shared>>)
      tpu.yield
    }) : () -> ()
    %mul3A_19 = arith.constant 625 : i32
    %mul3A_20 = arith.muli %arg1, %mul3A_19 : i32
    %add3A_21 = arith.constant 240 : i32
    %add3A_22 = arith.addi %mul3A_20, %add3A_21 : i32
    "tpu.region"() ({
      %run_scoped3A = tpu.sem_alloc : memref<!tpu.dma_semaphore, #tpu.memory_space<semaphore_mem>>
      %dma_start3A_54 = arith.constant 0 : i32
      %dma_start3A_55 = arith.constant 0 : i32
      %dma_start3A_56 = tpu.memref_slice %arg15[%dma_start3A_54, %dma_start3A_55] : memref<80x128xf32, #tpu.memory_space<vmem>> -> memref<80x128xf32, #tpu.memory_space<vmem>>
      %dma_start3A_57 = arith.constant 0 : i32
      %dma_start3A_58 = tpu.memref_slice %arg16[%add3A_22, %dma_start3A_57] : memref<10000x128xf32, #tpu.memory_space<vmem_shared>> -> memref<80x128xf32, #tpu.memory_space<vmem_shared>>
      %dma_start3A_59 = arith.constant 0 : i32
      %dma_start3A_60 = tpu.memref_slice %arg16[%add3A_22, %dma_start3A_59] : memref<10000x128xf32, #tpu.memory_space<vmem_shared>> -> memref<80x128xf32, #tpu.memory_space<vmem_shared>>
      %dma_start3A_61 = arith.constant 0 : i32
      %dma_start3A_62 = arith.constant 0 : i32
      %dma_start3A_63 = tpu.memref_slice %arg15[%dma_start3A_61, %dma_start3A_62] : memref<80x128xf32, #tpu.memory_space<vmem>> -> memref<80x128xf32, #tpu.memory_space<vmem>>
      tpu.enqueue_dma source(%dma_start3A_63 : memref<80x128xf32, #tpu.memory_space<vmem>>) target(%dma_start3A_60 : memref<80x128xf32, #tpu.memory_space<vmem_shared>>) target_semaphore(%run_scoped3A : memref<!tpu.dma_semaphore, #tpu.memory_space<semaphore_mem>>)
      %dma_wait3A = arith.constant 0 : i32
      %dma_wait3A_64 = arith.constant 0 : i32
      %dma_wait3A_65 = tpu.memref_slice %arg15[%dma_wait3A, %dma_wait3A_64] : memref<80x128xf32, #tpu.memory_space<vmem>> -> memref<80x128xf32, #tpu.memory_space<vmem>>
      %dma_wait3A_66 = arith.constant 0 : i32
      %dma_wait3A_67 = tpu.memref_slice %arg16[%add3A_22, %dma_wait3A_66] : memref<10000x128xf32, #tpu.memory_space<vmem_shared>> -> memref<80x128xf32, #tpu.memory_space<vmem_shared>>
      %dma_wait3A_68 = arith.constant 0 : i32
      %dma_wait3A_69 = tpu.memref_slice %arg16[%add3A_22, %dma_wait3A_68] : memref<10000x128xf32, #tpu.memory_space<vmem_shared>> -> memref<80x128xf32, #tpu.memory_space<vmem_shared>>
      %dma_wait3A_70 = arith.constant 0 : i32
      %dma_wait3A_71 = arith.constant 0 : i32
      %dma_wait3A_72 = tpu.memref_slice %arg15[%dma_wait3A_70, %dma_wait3A_71] : memref<80x128xf32, #tpu.memory_space<vmem>> -> memref<80x128xf32, #tpu.memory_space<vmem>>
      tpu.wait_dma2 semaphore(%run_scoped3A : memref<!tpu.dma_semaphore, #tpu.memory_space<semaphore_mem>>) src(%dma_wait3A_72 : memref<80x128xf32, #tpu.memory_space<vmem>>) dst(%dma_wait3A_69 : memref<80x128xf32, #tpu.memory_space<vmem_shared>>)
      tpu.yield
    }) : () -> ()
    %mul3A_23 = arith.constant 625 : i32
    %mul3A_24 = arith.muli %arg1, %mul3A_23 : i32
    %add3A_25 = arith.constant 320 : i32
    %add3A_26 = arith.addi %mul3A_24, %add3A_25 : i32
    "tpu.region"() ({
      %run_scoped3A = tpu.sem_alloc : memref<!tpu.dma_semaphore, #tpu.memory_space<semaphore_mem>>
      %dma_start3A_54 = arith.constant 0 : i32
      %dma_start3A_55 = arith.constant 0 : i32
      %dma_start3A_56 = tpu.memref_slice %arg15[%dma_start3A_54, %dma_start3A_55] : memref<80x128xf32, #tpu.memory_space<vmem>> -> memref<80x128xf32, #tpu.memory_space<vmem>>
      %dma_start3A_57 = arith.constant 0 : i32
      %dma_start3A_58 = tpu.memref_slice %arg16[%add3A_26, %dma_start3A_57] : memref<10000x128xf32, #tpu.memory_space<vmem_shared>> -> memref<80x128xf32, #tpu.memory_space<vmem_shared>>
      %dma_start3A_59 = arith.constant 0 : i32
      %dma_start3A_60 = tpu.memref_slice %arg16[%add3A_26, %dma_start3A_59] : memref<10000x128xf32, #tpu.memory_space<vmem_shared>> -> memref<80x128xf32, #tpu.memory_space<vmem_shared>>
      %dma_start3A_61 = arith.constant 0 : i32
      %dma_start3A_62 = arith.constant 0 : i32
      %dma_start3A_63 = tpu.memref_slice %arg15[%dma_start3A_61, %dma_start3A_62] : memref<80x128xf32, #tpu.memory_space<vmem>> -> memref<80x128xf32, #tpu.memory_space<vmem>>
      tpu.enqueue_dma source(%dma_start3A_63 : memref<80x128xf32, #tpu.memory_space<vmem>>) target(%dma_start3A_60 : memref<80x128xf32, #tpu.memory_space<vmem_shared>>) target_semaphore(%run_scoped3A : memref<!tpu.dma_semaphore, #tpu.memory_space<semaphore_mem>>)
      %dma_wait3A = arith.constant 0 : i32
      %dma_wait3A_64 = arith.constant 0 : i32
      %dma_wait3A_65 = tpu.memref_slice %arg15[%dma_wait3A, %dma_wait3A_64] : memref<80x128xf32, #tpu.memory_space<vmem>> -> memref<80x128xf32, #tpu.memory_space<vmem>>
      %dma_wait3A_66 = arith.constant 0 : i32
      %dma_wait3A_67 = tpu.memref_slice %arg16[%add3A_26, %dma_wait3A_66] : memref<10000x128xf32, #tpu.memory_space<vmem_shared>> -> memref<80x128xf32, #tpu.memory_space<vmem_shared>>
      %dma_wait3A_68 = arith.constant 0 : i32
      %dma_wait3A_69 = tpu.memref_slice %arg16[%add3A_26, %dma_wait3A_68] : memref<10000x128xf32, #tpu.memory_space<vmem_shared>> -> memref<80x128xf32, #tpu.memory_space<vmem_shared>>
      %dma_wait3A_70 = arith.constant 0 : i32
      %dma_wait3A_71 = arith.constant 0 : i32
      %dma_wait3A_72 = tpu.memref_slice %arg15[%dma_wait3A_70, %dma_wait3A_71] : memref<80x128xf32, #tpu.memory_space<vmem>> -> memref<80x128xf32, #tpu.memory_space<vmem>>
      tpu.wait_dma2 semaphore(%run_scoped3A : memref<!tpu.dma_semaphore, #tpu.memory_space<semaphore_mem>>) src(%dma_wait3A_72 : memref<80x128xf32, #tpu.memory_space<vmem>>) dst(%dma_wait3A_69 : memref<80x128xf32, #tpu.memory_space<vmem_shared>>)
      tpu.yield
    }) : () -> ()
    %mul3A_27 = arith.constant 625 : i32
    %mul3A_28 = arith.muli %arg1, %mul3A_27 : i32
    %add3A_29 = arith.constant 400 : i32
    %add3A_30 = arith.addi %mul3A_28, %add3A_29 : i32
    "tpu.region"() ({
      %run_scoped3A = tpu.sem_alloc : memref<!tpu.dma_semaphore, #tpu.memory_space<semaphore_mem>>
      %dma_start3A_54 = arith.constant 0 : i32
      %dma_start3A_55 = arith.constant 0 : i32
      %dma_start3A_56 = tpu.memref_slice %arg15[%dma_start3A_54, %dma_start3A_55] : memref<80x128xf32, #tpu.memory_space<vmem>> -> memref<80x128xf32, #tpu.memory_space<vmem>>
      %dma_start3A_57 = arith.constant 0 : i32
      %dma_start3A_58 = tpu.memref_slice %arg16[%add3A_30, %dma_start3A_57] : memref<10000x128xf32, #tpu.memory_space<vmem_shared>> -> memref<80x128xf32, #tpu.memory_space<vmem_shared>>
      %dma_start3A_59 = arith.constant 0 : i32
      %dma_start3A_60 = tpu.memref_slice %arg16[%add3A_30, %dma_start3A_59] : memref<10000x128xf32, #tpu.memory_space<vmem_shared>> -> memref<80x128xf32, #tpu.memory_space<vmem_shared>>
      %dma_start3A_61 = arith.constant 0 : i32
      %dma_start3A_62 = arith.constant 0 : i32
      %dma_start3A_63 = tpu.memref_slice %arg15[%dma_start3A_61, %dma_start3A_62] : memref<80x128xf32, #tpu.memory_space<vmem>> -> memref<80x128xf32, #tpu.memory_space<vmem>>
      tpu.enqueue_dma source(%dma_start3A_63 : memref<80x128xf32, #tpu.memory_space<vmem>>) target(%dma_start3A_60 : memref<80x128xf32, #tpu.memory_space<vmem_shared>>) target_semaphore(%run_scoped3A : memref<!tpu.dma_semaphore, #tpu.memory_space<semaphore_mem>>)
      %dma_wait3A = arith.constant 0 : i32
      %dma_wait3A_64 = arith.constant 0 : i32
      %dma_wait3A_65 = tpu.memref_slice %arg15[%dma_wait3A, %dma_wait3A_64] : memref<80x128xf32, #tpu.memory_space<vmem>> -> memref<80x128xf32, #tpu.memory_space<vmem>>
      %dma_wait3A_66 = arith.constant 0 : i32
      %dma_wait3A_67 = tpu.memref_slice %arg16[%add3A_30, %dma_wait3A_66] : memref<10000x128xf32, #tpu.memory_space<vmem_shared>> -> memref<80x128xf32, #tpu.memory_space<vmem_shared>>
      %dma_wait3A_68 = arith.constant 0 : i32
      %dma_wait3A_69 = tpu.memref_slice %arg16[%add3A_30, %dma_wait3A_68] : memref<10000x128xf32, #tpu.memory_space<vmem_shared>> -> memref<80x128xf32, #tpu.memory_space<vmem_shared>>
      %dma_wait3A_70 = arith.constant 0 : i32
      %dma_wait3A_71 = arith.constant 0 : i32
      %dma_wait3A_72 = tpu.memref_slice %arg15[%dma_wait3A_70, %dma_wait3A_71] : memref<80x128xf32, #tpu.memory_space<vmem>> -> memref<80x128xf32, #tpu.memory_space<vmem>>
      tpu.wait_dma2 semaphore(%run_scoped3A : memref<!tpu.dma_semaphore, #tpu.memory_space<semaphore_mem>>) src(%dma_wait3A_72 : memref<80x128xf32, #tpu.memory_space<vmem>>) dst(%dma_wait3A_69 : memref<80x128xf32, #tpu.memory_space<vmem_shared>>)
      tpu.yield
    }) : () -> ()
    %mul3A_31 = arith.constant 625 : i32
    %mul3A_32 = arith.muli %arg1, %mul3A_31 : i32
    %add3A_33 = arith.constant 480 : i32
    %add3A_34 = arith.addi %mul3A_32, %add3A_33 : i32
    "tpu.region"() ({
      %run_scoped3A = tpu.sem_alloc : memref<!tpu.dma_semaphore, #tpu.memory_space<semaphore_mem>>
      %dma_start3A_54 = arith.constant 0 : i32
      %dma_start3A_55 = arith.constant 0 : i32
      %dma_start3A_56 = tpu.memref_slice %arg15[%dma_start3A_54, %dma_start3A_55] : memref<80x128xf32, #tpu.memory_space<vmem>> -> memref<80x128xf32, #tpu.memory_space<vmem>>
      %dma_start3A_57 = arith.constant 0 : i32
      %dma_start3A_58 = tpu.memref_slice %arg16[%add3A_34, %dma_start3A_57] : memref<10000x128xf32, #tpu.memory_space<vmem_shared>> -> memref<80x128xf32, #tpu.memory_space<vmem_shared>>
      %dma_start3A_59 = arith.constant 0 : i32
      %dma_start3A_60 = tpu.memref_slice %arg16[%add3A_34, %dma_start3A_59] : memref<10000x128xf32, #tpu.memory_space<vmem_shared>> -> memref<80x128xf32, #tpu.memory_space<vmem_shared>>
      %dma_start3A_61 = arith.constant 0 : i32
      %dma_start3A_62 = arith.constant 0 : i32
      %dma_start3A_63 = tpu.memref_slice %arg15[%dma_start3A_61, %dma_start3A_62] : memref<80x128xf32, #tpu.memory_space<vmem>> -> memref<80x128xf32, #tpu.memory_space<vmem>>
      tpu.enqueue_dma source(%dma_start3A_63 : memref<80x128xf32, #tpu.memory_space<vmem>>) target(%dma_start3A_60 : memref<80x128xf32, #tpu.memory_space<vmem_shared>>) target_semaphore(%run_scoped3A : memref<!tpu.dma_semaphore, #tpu.memory_space<semaphore_mem>>)
      %dma_wait3A = arith.constant 0 : i32
      %dma_wait3A_64 = arith.constant 0 : i32
      %dma_wait3A_65 = tpu.memref_slice %arg15[%dma_wait3A, %dma_wait3A_64] : memref<80x128xf32, #tpu.memory_space<vmem>> -> memref<80x128xf32, #tpu.memory_space<vmem>>
      %dma_wait3A_66 = arith.constant 0 : i32
      %dma_wait3A_67 = tpu.memref_slice %arg16[%add3A_34, %dma_wait3A_66] : memref<10000x128xf32, #tpu.memory_space<vmem_shared>> -> memref<80x128xf32, #tpu.memory_space<vmem_shared>>
      %dma_wait3A_68 = arith.constant 0 : i32
      %dma_wait3A_69 = tpu.memref_slice %arg16[%add3A_34, %dma_wait3A_68] : memref<10000x128xf32, #tpu.memory_space<vmem_shared>> -> memref<80x128xf32, #tpu.memory_space<vmem_shared>>
      %dma_wait3A_70 = arith.constant 0 : i32
      %dma_wait3A_71 = arith.constant 0 : i32
      %dma_wait3A_72 = tpu.memref_slice %arg15[%dma_wait3A_70, %dma_wait3A_71] : memref<80x128xf32, #tpu.memory_space<vmem>> -> memref<80x128xf32, #tpu.memory_space<vmem>>
      tpu.wait_dma2 semaphore(%run_scoped3A : memref<!tpu.dma_semaphore, #tpu.memory_space<semaphore_mem>>) src(%dma_wait3A_72 : memref<80x128xf32, #tpu.memory_space<vmem>>) dst(%dma_wait3A_69 : memref<80x128xf32, #tpu.memory_space<vmem_shared>>)
      tpu.yield
    }) : () -> ()
    %mul3A_35 = arith.constant 625 : i32
    %mul3A_36 = arith.muli %arg1, %mul3A_35 : i32
    %add3A_37 = arith.constant 560 : i32
    %add3A_38 = arith.addi %mul3A_36, %add3A_37 : i32
    "tpu.region"() ({
      %run_scoped3A = tpu.sem_alloc : memref<!tpu.dma_semaphore, #tpu.memory_space<semaphore_mem>>
      %dma_start3A_54 = arith.constant 0 : i32
      %dma_start3A_55 = arith.constant 0 : i32
      %dma_start3A_56 = tpu.memref_slice %arg15[%dma_start3A_54, %dma_start3A_55] : memref<80x128xf32, #tpu.memory_space<vmem>> -> memref<65x128xf32, #tpu.memory_space<vmem>>
      %dma_start3A_57 = arith.constant 0 : i32
      %dma_start3A_58 = tpu.memref_slice %arg16[%add3A_38, %dma_start3A_57] : memref<10000x128xf32, #tpu.memory_space<vmem_shared>> -> memref<65x128xf32, #tpu.memory_space<vmem_shared>>
      %dma_start3A_59 = arith.constant 0 : i32
      %dma_start3A_60 = tpu.memref_slice %arg16[%add3A_38, %dma_start3A_59] : memref<10000x128xf32, #tpu.memory_space<vmem_shared>> -> memref<65x128xf32, #tpu.memory_space<vmem_shared>>
      %dma_start3A_61 = arith.constant 0 : i32
      %dma_start3A_62 = arith.constant 0 : i32
      %dma_start3A_63 = tpu.memref_slice %arg15[%dma_start3A_61, %dma_start3A_62] : memref<80x128xf32, #tpu.memory_space<vmem>> -> memref<65x128xf32, #tpu.memory_space<vmem>>
      tpu.enqueue_dma source(%dma_start3A_63 : memref<65x128xf32, #tpu.memory_space<vmem>>) target(%dma_start3A_60 : memref<65x128xf32, #tpu.memory_space<vmem_shared>>) target_semaphore(%run_scoped3A : memref<!tpu.dma_semaphore, #tpu.memory_space<semaphore_mem>>)
      %dma_wait3A = arith.constant 0 : i32
      %dma_wait3A_64 = arith.constant 0 : i32
      %dma_wait3A_65 = tpu.memref_slice %arg15[%dma_wait3A, %dma_wait3A_64] : memref<80x128xf32, #tpu.memory_space<vmem>> -> memref<65x128xf32, #tpu.memory_space<vmem>>
      %dma_wait3A_66 = arith.constant 0 : i32
      %dma_wait3A_67 = tpu.memref_slice %arg16[%add3A_38, %dma_wait3A_66] : memref<10000x128xf32, #tpu.memory_space<vmem_shared>> -> memref<65x128xf32, #tpu.memory_space<vmem_shared>>
      %dma_wait3A_68 = arith.constant 0 : i32
      %dma_wait3A_69 = tpu.memref_slice %arg16[%add3A_38, %dma_wait3A_68] : memref<10000x128xf32, #tpu.memory_space<vmem_shared>> -> memref<65x128xf32, #tpu.memory_space<vmem_shared>>
      %dma_wait3A_70 = arith.constant 0 : i32
      %dma_wait3A_71 = arith.constant 0 : i32
      %dma_wait3A_72 = tpu.memref_slice %arg15[%dma_wait3A_70, %dma_wait3A_71] : memref<80x128xf32, #tpu.memory_space<vmem>> -> memref<65x128xf32, #tpu.memory_space<vmem>>
      tpu.wait_dma2 semaphore(%run_scoped3A : memref<!tpu.dma_semaphore, #tpu.memory_space<semaphore_mem>>) src(%dma_wait3A_72 : memref<65x128xf32, #tpu.memory_space<vmem>>) dst(%dma_wait3A_69 : memref<65x128xf32, #tpu.memory_space<vmem_shared>>)
      tpu.yield
    }) : () -> ()
    %barrier3A = arith.constant 0 : index
    tpu.barrier barrier_id(%barrier3A)
    %add3A_39 = arith.constant 0 : i32
    %add3A_40 = arith.addi %mul3A_2, %add3A_39 : i32
    %dma_start3A = tpu.memref_slice %arg5[%add3A_40] : memref<320000xi32, #tpu.memory_space<hbm>> -> memref<40xi32, #tpu.memory_space<hbm>>
    %dma_start3A_41 = tpu.memref_slice %arg5[%add3A_40] : memref<320000xi32, #tpu.memory_space<hbm>> -> memref<40xi32, #tpu.memory_space<hbm>>
    tpu.enqueue_dma source(%dma_start3A_41 : memref<40xi32, #tpu.memory_space<hbm>>) target(%arg9 : memref<40xi32, #tpu.memory_space<vmem>>) target_semaphore(%arg20 : memref<!tpu.dma_semaphore, #tpu.memory_space<semaphore_mem>>)
    %add3A_42 = arith.constant 40 : i32
    %add3A_43 = arith.addi %mul3A_2, %add3A_42 : i32
    %dma_start3A_44 = tpu.memref_slice %arg5[%add3A_43] : memref<320000xi32, #tpu.memory_space<hbm>> -> memref<40xi32, #tpu.memory_space<hbm>>
    %dma_start3A_45 = tpu.memref_slice %arg5[%add3A_43] : memref<320000xi32, #tpu.memory_space<hbm>> -> memref<40xi32, #tpu.memory_space<hbm>>
    tpu.enqueue_dma source(%dma_start3A_45 : memref<40xi32, #tpu.memory_space<hbm>>) target(%arg10 : memref<40xi32, #tpu.memory_space<vmem>>) target_semaphore(%arg20 : memref<!tpu.dma_semaphore, #tpu.memory_space<semaphore_mem>>)
    %scan3A_46 = arith.constant 0 : i32
    %scan3A_47 = arith.constant 125 : i32
    %scan3A_48 = arith.addi %scan3A_46, %scan3A_47 : i32
    %scan3A_49 = arith.constant 1 : i32
    scf.for %scan3A_54 = %scan3A_46 to %scan3A_48 step %scan3A_49  : i32 {
      %mul3A_55 = arith.constant 1 : i32
      %mul3A_56 = arith.muli %scan3A_54, %mul3A_55 : i32
      %add3A_57 = arith.constant 0 : i32
      %add3A_58 = arith.addi %add3A_57, %mul3A_56 : i32
      %mul3A_59 = arith.constant 2 : i32
      %mul3A_60 = arith.muli %add3A_58, %mul3A_59 : i32
      %and3A = arith.constant 1 : i32
      %and3A_61 = arith.andi %add3A_58, %and3A : i32
      %eq3A = arith.constant 0 : i32
      %eq3A_62 = arith.cmpi eq, %and3A_61, %eq3A : i32
      %not3A = arith.constant true
      %not3A_63 = arith.xori %eq3A_62, %not3A : i1
      %dma_wait3A = tpu.memref_slice %arg5[%mul3A_2] : memref<320000xi32, #tpu.memory_space<hbm>> -> memref<40xi32, #tpu.memory_space<hbm>>
      %dma_wait3A_64 = tpu.memref_slice %arg5[%mul3A_2] : memref<320000xi32, #tpu.memory_space<hbm>> -> memref<40xi32, #tpu.memory_space<hbm>>
      tpu.wait_dma2 semaphore(%arg20 : memref<!tpu.dma_semaphore, #tpu.memory_space<semaphore_mem>>) src(%dma_wait3A_64 : memref<40xi32, #tpu.memory_space<hbm>>) dst(%arg9 : memref<40xi32, #tpu.memory_space<vmem>>)
      %dma_wait3A_65 = tpu.memref_slice %arg5[%mul3A_2] : memref<320000xi32, #tpu.memory_space<hbm>> -> memref<40xi32, #tpu.memory_space<hbm>>
      %dma_wait3A_66 = tpu.memref_slice %arg5[%mul3A_2] : memref<320000xi32, #tpu.memory_space<hbm>> -> memref<40xi32, #tpu.memory_space<hbm>>
      tpu.wait_dma2 semaphore(%arg20 : memref<!tpu.dma_semaphore, #tpu.memory_space<semaphore_mem>>) src(%dma_wait3A_66 : memref<40xi32, #tpu.memory_space<hbm>>) dst(%arg10 : memref<40xi32, #tpu.memory_space<vmem>>)
      %dma_start3A_67 = arith.constant 0 : i32
      %dma_start3A_68 = arith.constant 0 : i32
      %dma_start3A_69 = tpu.memref_slice %arg2[%dma_start3A_67, %dma_start3A_68] : memref<10000x128xf32, #tpu.memory_space<hbm>> -> memref<10000x128xf32, #tpu.memory_space<hbm>>
      tpu.enqueue_indirect_dma source(%dma_start3A_69 : memref<10000x128xf32, #tpu.memory_space<hbm>>) target(%arg11 : memref<40x128xf32, #tpu.memory_space<vmem>>) offsets(%arg9 : memref<40xi32, #tpu.memory_space<vmem>>) semaphore(%arg17 : memref<!tpu.dma_semaphore, #tpu.memory_space<semaphore_mem>>)
      %dma_start3A_70 = arith.constant 0 : i32
      %dma_start3A_71 = arith.constant 0 : i32
      %dma_start3A_72 = tpu.memref_slice %arg2[%dma_start3A_70, %dma_start3A_71] : memref<10000x128xf32, #tpu.memory_space<hbm>> -> memref<10000x128xf32, #tpu.memory_space<hbm>>
      tpu.enqueue_indirect_dma source(%dma_start3A_72 : memref<10000x128xf32, #tpu.memory_space<hbm>>) target(%arg12 : memref<40x128xf32, #tpu.memory_space<vmem>>) offsets(%arg10 : memref<40xi32, #tpu.memory_space<vmem>>) semaphore(%arg17 : memref<!tpu.dma_semaphore, #tpu.memory_space<semaphore_mem>>)
      %convert_element_type3A = arith.extui %eq3A_62 : i1 to i32
      %cond3A = arith.constant 0 : i32
      %cond3A_73 = arith.cmpi ne, %convert_element_type3A, %cond3A : i32
      scf.if %cond3A_73 {
        %mul3A_148 = arith.constant 40 : i32
        %mul3A_149 = arith.muli %mul3A_60, %mul3A_148 : i32
        %add3A_150 = arith.addi %mul3A_2, %mul3A_149 : i32
        %dma_start3A_151 = tpu.memref_slice %arg4[%add3A_150] : memref<320000xi32, #tpu.memory_space<hbm>> -> memref<80xi32, #tpu.memory_space<hbm>>
        %dma_start3A_152 = tpu.memref_slice %arg4[%add3A_150] : memref<320000xi32, #tpu.memory_space<hbm>> -> memref<80xi32, #tpu.memory_space<hbm>>
        tpu.enqueue_dma source(%dma_start3A_152 : memref<80xi32, #tpu.memory_space<hbm>>) target(%arg7 : memref<80xi32, #tpu.memory_space<vmem>>) target_semaphore(%arg21 : memref<!tpu.dma_semaphore, #tpu.memory_space<semaphore_mem>>)
      } else {
      }
      %convert_element_type3A_74 = arith.extui %not3A_63 : i1 to i32
      %cond3A_75 = arith.constant 0 : i32
      %cond3A_76 = arith.cmpi ne, %convert_element_type3A_74, %cond3A_75 : i32
      scf.if %cond3A_76 {
        %mul3A_148 = arith.constant 40 : i32
        %mul3A_149 = arith.muli %mul3A_60, %mul3A_148 : i32
        %add3A_150 = arith.addi %mul3A_2, %mul3A_149 : i32
        %dma_start3A_151 = tpu.memref_slice %arg4[%add3A_150] : memref<320000xi32, #tpu.memory_space<hbm>> -> memref<80xi32, #tpu.memory_space<hbm>>
        %dma_start3A_152 = tpu.memref_slice %arg4[%add3A_150] : memref<320000xi32, #tpu.memory_space<hbm>> -> memref<80xi32, #tpu.memory_space<hbm>>
        tpu.enqueue_dma source(%dma_start3A_152 : memref<80xi32, #tpu.memory_space<hbm>>) target(%arg8 : memref<80xi32, #tpu.memory_space<vmem>>) target_semaphore(%arg21 : memref<!tpu.dma_semaphore, #tpu.memory_space<semaphore_mem>>)
      } else {
      }
      %add3A_77 = arith.constant 0 : i32
      %add3A_78 = arith.addi %mul3A_60, %add3A_77 : i32
      %mul3A_79 = arith.constant 40 : i32
      %mul3A_80 = arith.muli %add3A_78, %mul3A_79 : i32
      %add3A_81 = arith.addi %mul3A_2, %mul3A_80 : i32
      %dma_start3A_82 = arith.constant 0 : i32
      %dma_start3A_83 = tpu.memref_slice %arg3[%add3A_81, %dma_start3A_82] : memref<320000x128xf32, #tpu.memory_space<hbm>> -> memref<40x128xf32, #tpu.memory_space<hbm>>
      %dma_start3A_84 = arith.constant 0 : i32
      %dma_start3A_85 = tpu.memref_slice %arg3[%add3A_81, %dma_start3A_84] : memref<320000x128xf32, #tpu.memory_space<hbm>> -> memref<40x128xf32, #tpu.memory_space<hbm>>
      tpu.enqueue_dma source(%dma_start3A_85 : memref<40x128xf32, #tpu.memory_space<hbm>>) target(%arg13 : memref<40x128xf32, #tpu.memory_space<vmem>>) target_semaphore(%arg18 : memref<!tpu.dma_semaphore, #tpu.memory_space<semaphore_mem>>)
      %add3A_86 = arith.constant 1 : i32
      %add3A_87 = arith.addi %mul3A_60, %add3A_86 : i32
      %mul3A_88 = arith.constant 40 : i32
      %mul3A_89 = arith.muli %add3A_87, %mul3A_88 : i32
      %add3A_90 = arith.addi %mul3A_2, %mul3A_89 : i32
      %dma_start3A_91 = arith.constant 0 : i32
      %dma_start3A_92 = tpu.memref_slice %arg3[%add3A_90, %dma_start3A_91] : memref<320000x128xf32, #tpu.memory_space<hbm>> -> memref<40x128xf32, #tpu.memory_space<hbm>>
      %dma_start3A_93 = arith.constant 0 : i32
      %dma_start3A_94 = tpu.memref_slice %arg3[%add3A_90, %dma_start3A_93] : memref<320000x128xf32, #tpu.memory_space<hbm>> -> memref<40x128xf32, #tpu.memory_space<hbm>>
      tpu.enqueue_dma source(%dma_start3A_94 : memref<40x128xf32, #tpu.memory_space<hbm>>) target(%arg14 : memref<40x128xf32, #tpu.memory_space<vmem>>) target_semaphore(%arg18 : memref<!tpu.dma_semaphore, #tpu.memory_space<semaphore_mem>>)
      %gt3A = arith.constant 0 : i32
      %gt3A_95 = arith.cmpi sgt, %add3A_58, %gt3A : i32
      %convert_element_type3A_96 = arith.extui %gt3A_95 : i1 to i32
      %cond3A_97 = arith.constant 0 : i32
      %cond3A_98 = arith.cmpi ne, %convert_element_type3A_96, %cond3A_97 : i32
      scf.if %cond3A_98 {
        %dma_wait3A_148 = arith.constant 0 : i32
        %dma_wait3A_149 = arith.constant 0 : i32
        %dma_wait3A_150 = tpu.memref_slice %arg16[%dma_wait3A_148, %dma_wait3A_149] : memref<10000x128xf32, #tpu.memory_space<vmem_shared>> -> memref<10000x128xf32, #tpu.memory_space<vmem_shared>>
        tpu.wait_indirect_dma semaphore(%arg19 : memref<!tpu.dma_semaphore, #tpu.memory_space<semaphore_mem>>) src(%arg15 : memref<80x128xf32, #tpu.memory_space<vmem>>) dst(%dma_wait3A_150 : memref<10000x128xf32, #tpu.memory_space<vmem_shared>>)
      } else {
      }
      %dma_wait3A_99 = arith.constant 0 : i32
      %dma_wait3A_100 = arith.constant 0 : i32
      %dma_wait3A_101 = tpu.memref_slice %arg2[%dma_wait3A_99, %dma_wait3A_100] : memref<10000x128xf32, #tpu.memory_space<hbm>> -> memref<10000x128xf32, #tpu.memory_space<hbm>>
      tpu.wait_indirect_dma semaphore(%arg17 : memref<!tpu.dma_semaphore, #tpu.memory_space<semaphore_mem>>) src(%dma_wait3A_101 : memref<10000x128xf32, #tpu.memory_space<hbm>>) dst(%arg11 : memref<40x128xf32, #tpu.memory_space<vmem>>)
      %dma_wait3A_102 = arith.constant 0 : i32
      %dma_wait3A_103 = tpu.memref_slice %arg3[%add3A_81, %dma_wait3A_102] : memref<320000x128xf32, #tpu.memory_space<hbm>> -> memref<40x128xf32, #tpu.memory_space<hbm>>
      %dma_wait3A_104 = arith.constant 0 : i32
      %dma_wait3A_105 = tpu.memref_slice %arg3[%add3A_81, %dma_wait3A_104] : memref<320000x128xf32, #tpu.memory_space<hbm>> -> memref<40x128xf32, #tpu.memory_space<hbm>>
      tpu.wait_dma2 semaphore(%arg18 : memref<!tpu.dma_semaphore, #tpu.memory_space<semaphore_mem>>) src(%dma_wait3A_105 : memref<40x128xf32, #tpu.memory_space<hbm>>) dst(%arg13 : memref<40x128xf32, #tpu.memory_space<vmem>>)
      %dma_wait3A_106 = arith.constant 0 : i32
      %dma_wait3A_107 = arith.constant 0 : i32
      %dma_wait3A_108 = tpu.memref_slice %arg2[%dma_wait3A_106, %dma_wait3A_107] : memref<10000x128xf32, #tpu.memory_space<hbm>> -> memref<10000x128xf32, #tpu.memory_space<hbm>>
      tpu.wait_indirect_dma semaphore(%arg17 : memref<!tpu.dma_semaphore, #tpu.memory_space<semaphore_mem>>) src(%dma_wait3A_108 : memref<10000x128xf32, #tpu.memory_space<hbm>>) dst(%arg12 : memref<40x128xf32, #tpu.memory_space<vmem>>)
      %dma_wait3A_109 = arith.constant 0 : i32
      %dma_wait3A_110 = tpu.memref_slice %arg3[%add3A_90, %dma_wait3A_109] : memref<320000x128xf32, #tpu.memory_space<hbm>> -> memref<40x128xf32, #tpu.memory_space<hbm>>
      %dma_wait3A_111 = arith.constant 0 : i32
      %dma_wait3A_112 = tpu.memref_slice %arg3[%add3A_90, %dma_wait3A_111] : memref<320000x128xf32, #tpu.memory_space<hbm>> -> memref<40x128xf32, #tpu.memory_space<hbm>>
      tpu.wait_dma2 semaphore(%arg18 : memref<!tpu.dma_semaphore, #tpu.memory_space<semaphore_mem>>) src(%dma_wait3A_112 : memref<40x128xf32, #tpu.memory_space<hbm>>) dst(%arg14 : memref<40x128xf32, #tpu.memory_space<vmem>>)
      %add3A_113 = arith.constant 1 : i32
      %add3A_114 = arith.addi %add3A_58, %add3A_113 : i32
      %lt3A = arith.constant 125 : i32
      %lt3A_115 = arith.cmpi slt, %add3A_114, %lt3A : i32
      %convert_element_type3A_116 = arith.extui %lt3A_115 : i1 to i32
      %cond3A_117 = arith.constant 0 : i32
      %cond3A_118 = arith.cmpi ne, %convert_element_type3A_116, %cond3A_117 : i32
      scf.if %cond3A_118 {
        %add3A_148 = arith.constant 2 : i32
        %add3A_149 = arith.addi %mul3A_60, %add3A_148 : i32
        %add3A_150 = arith.constant 0 : i32
        %add3A_151 = arith.addi %add3A_149, %add3A_150 : i32
        %mul3A_152 = arith.constant 40 : i32
        %mul3A_153 = arith.muli %add3A_151, %mul3A_152 : i32
        %add3A_154 = arith.addi %mul3A_2, %mul3A_153 : i32
        %dma_start3A_155 = tpu.memref_slice %arg5[%add3A_154] : memref<320000xi32, #tpu.memory_space<hbm>> -> memref<40xi32, #tpu.memory_space<hbm>>
        %dma_start3A_156 = tpu.memref_slice %arg5[%add3A_154] : memref<320000xi32, #tpu.memory_space<hbm>> -> memref<40xi32, #tpu.memory_space<hbm>>
        tpu.enqueue_dma source(%dma_start3A_156 : memref<40xi32, #tpu.memory_space<hbm>>) target(%arg9 : memref<40xi32, #tpu.memory_space<vmem>>) target_semaphore(%arg20 : memref<!tpu.dma_semaphore, #tpu.memory_space<semaphore_mem>>)
        %add3A_157 = arith.constant 2 : i32
        %add3A_158 = arith.addi %mul3A_60, %add3A_157 : i32
        %add3A_159 = arith.constant 1 : i32
        %add3A_160 = arith.addi %add3A_158, %add3A_159 : i32
        %mul3A_161 = arith.constant 40 : i32
        %mul3A_162 = arith.muli %add3A_160, %mul3A_161 : i32
        %add3A_163 = arith.addi %mul3A_2, %mul3A_162 : i32
        %dma_start3A_164 = tpu.memref_slice %arg5[%add3A_163] : memref<320000xi32, #tpu.memory_space<hbm>> -> memref<40xi32, #tpu.memory_space<hbm>>
        %dma_start3A_165 = tpu.memref_slice %arg5[%add3A_163] : memref<320000xi32, #tpu.memory_space<hbm>> -> memref<40xi32, #tpu.memory_space<hbm>>
        tpu.enqueue_dma source(%dma_start3A_165 : memref<40xi32, #tpu.memory_space<hbm>>) target(%arg10 : memref<40xi32, #tpu.memory_space<vmem>>) target_semaphore(%arg20 : memref<!tpu.dma_semaphore, #tpu.memory_space<semaphore_mem>>)
      } else {
      }
      %scan3A_119 = arith.constant 0 : i32
      %scan3A_120 = arith.constant 40 : i32
      %scan3A_121 = arith.addi %scan3A_119, %scan3A_120 : i32
      %scan3A_122 = arith.constant 1 : i32
      scf.for %scan3A_148 = %scan3A_119 to %scan3A_121 step %scan3A_122  : i32 {
        %mul3A_149 = arith.constant 1 : i32
        %mul3A_150 = arith.muli %scan3A_148, %mul3A_149 : i32
        %add3A_151 = arith.constant 0 : i32
        %add3A_152 = arith.addi %add3A_151, %mul3A_150 : i32
        %get3A = arith.index_cast %add3A_152 : i32 to index
        %get3A_153 = arith.constant 0 : index
        %get3A_154 = tpu.vector_load %arg11[%get3A, %get3A_153] {strides = array<i32>} : memref<40x128xf32, #tpu.memory_space<vmem>>, vector<16xf32>,
        %get3A_155 = arith.index_cast %add3A_152 : i32 to index
        %get3A_156 = arith.constant 0 : index
        %get3A_157 = tpu.vector_load %arg13[%get3A_155, %get3A_156] {strides = array<i32>} : memref<40x128xf32, #tpu.memory_space<vmem>>, vector<16xf32>,
        %mul3A_158 = arith.mulf %get3A_154, %get3A_157 : vector<16xf32>
        %add3A_159 = arith.constant 0 : i32
        %add3A_160 = arith.addi %add3A_159, %add3A_152 : i32
        %swap3A = arith.index_cast %add3A_160 : i32 to index
        %swap3A_161 = arith.constant 0 : index
        %swap3A_162 = tpu.vector_load %arg15[%swap3A, %swap3A_161] {strides = array<i32>} : memref<80x128xf32, #tpu.memory_space<vmem>>, vector<16xf32>,
        tpu.vector_store %arg15[%swap3A, %swap3A_161], %mul3A_158 {strides = array<i32>} : memref<80x128xf32, #tpu.memory_space<vmem>>, vector<16xf32>,
        %get3A_163 = arith.index_cast %add3A_152 : i32 to index
        %get3A_164 = arith.constant 16 : index
        %get3A_165 = tpu.vector_load %arg11[%get3A_163, %get3A_164] {strides = array<i32>} : memref<40x128xf32, #tpu.memory_space<vmem>>, vector<16xf32>,
        %get3A_166 = arith.index_cast %add3A_152 : i32 to index
        %get3A_167 = arith.constant 16 : index
        %get3A_168 = tpu.vector_load %arg13[%get3A_166, %get3A_167] {strides = array<i32>} : memref<40x128xf32, #tpu.memory_space<vmem>>, vector<16xf32>,
        %mul3A_169 = arith.mulf %get3A_165, %get3A_168 : vector<16xf32>
        %add3A_170 = arith.constant 0 : i32
        %add3A_171 = arith.addi %add3A_170, %add3A_152 : i32
        %swap3A_172 = arith.index_cast %add3A_171 : i32 to index
        %swap3A_173 = arith.constant 16 : index
        %swap3A_174 = tpu.vector_load %arg15[%swap3A_172, %swap3A_173] {strides = array<i32>} : memref<80x128xf32, #tpu.memory_space<vmem>>, vector<16xf32>,
        tpu.vector_store %arg15[%swap3A_172, %swap3A_173], %mul3A_169 {strides = array<i32>} : memref<80x128xf32, #tpu.memory_space<vmem>>, vector<16xf32>,
        %get3A_175 = arith.index_cast %add3A_152 : i32 to index
        %get3A_176 = arith.constant 32 : index
        %get3A_177 = tpu.vector_load %arg11[%get3A_175, %get3A_176] {strides = array<i32>} : memref<40x128xf32, #tpu.memory_space<vmem>>, vector<16xf32>,
        %get3A_178 = arith.index_cast %add3A_152 : i32 to index
        %get3A_179 = arith.constant 32 : index
        %get3A_180 = tpu.vector_load %arg13[%get3A_178, %get3A_179] {strides = array<i32>} : memref<40x128xf32, #tpu.memory_space<vmem>>, vector<16xf32>,
        %mul3A_181 = arith.mulf %get3A_177, %get3A_180 : vector<16xf32>
        %add3A_182 = arith.constant 0 : i32
        %add3A_183 = arith.addi %add3A_182, %add3A_152 : i32
        %swap3A_184 = arith.index_cast %add3A_183 : i32 to index
        %swap3A_185 = arith.constant 32 : index
        %swap3A_186 = tpu.vector_load %arg15[%swap3A_184, %swap3A_185] {strides = array<i32>} : memref<80x128xf32, #tpu.memory_space<vmem>>, vector<16xf32>,
        tpu.vector_store %arg15[%swap3A_184, %swap3A_185], %mul3A_181 {strides = array<i32>} : memref<80x128xf32, #tpu.memory_space<vmem>>, vector<16xf32>,
        %get3A_187 = arith.index_cast %add3A_152 : i32 to index
        %get3A_188 = arith.constant 48 : index
        %get3A_189 = tpu.vector_load %arg11[%get3A_187, %get3A_188] {strides = array<i32>} : memref<40x128xf32, #tpu.memory_space<vmem>>, vector<16xf32>,
        %get3A_190 = arith.index_cast %add3A_152 : i32 to index
        %get3A_191 = arith.constant 48 : index
        %get3A_192 = tpu.vector_load %arg13[%get3A_190, %get3A_191] {strides = array<i32>} : memref<40x128xf32, #tpu.memory_space<vmem>>, vector<16xf32>,
        %mul3A_193 = arith.mulf %get3A_189, %get3A_192 : vector<16xf32>
        %add3A_194 = arith.constant 0 : i32
        %add3A_195 = arith.addi %add3A_194, %add3A_152 : i32
        %swap3A_196 = arith.index_cast %add3A_195 : i32 to index
        %swap3A_197 = arith.constant 48 : index
        %swap3A_198 = tpu.vector_load %arg15[%swap3A_196, %swap3A_197] {strides = array<i32>} : memref<80x128xf32, #tpu.memory_space<vmem>>, vector<16xf32>,
        tpu.vector_store %arg15[%swap3A_196, %swap3A_197], %mul3A_193 {strides = array<i32>} : memref<80x128xf32, #tpu.memory_space<vmem>>, vector<16xf32>,
        %get3A_199 = arith.index_cast %add3A_152 : i32 to index
        %get3A_200 = arith.constant 64 : index
        %get3A_201 = tpu.vector_load %arg11[%get3A_199, %get3A_200] {strides = array<i32>} : memref<40x128xf32, #tpu.memory_space<vmem>>, vector<16xf32>,
        %get3A_202 = arith.index_cast %add3A_152 : i32 to index
        %get3A_203 = arith.constant 64 : index
        %get3A_204 = tpu.vector_load %arg13[%get3A_202, %get3A_203] {strides = array<i32>} : memref<40x128xf32, #tpu.memory_space<vmem>>, vector<16xf32>,
        %mul3A_205 = arith.mulf %get3A_201, %get3A_204 : vector<16xf32>
        %add3A_206 = arith.constant 0 : i32
        %add3A_207 = arith.addi %add3A_206, %add3A_152 : i32
        %swap3A_208 = arith.index_cast %add3A_207 : i32 to index
        %swap3A_209 = arith.constant 64 : index
        %swap3A_210 = tpu.vector_load %arg15[%swap3A_208, %swap3A_209] {strides = array<i32>} : memref<80x128xf32, #tpu.memory_space<vmem>>, vector<16xf32>,
        tpu.vector_store %arg15[%swap3A_208, %swap3A_209], %mul3A_205 {strides = array<i32>} : memref<80x128xf32, #tpu.memory_space<vmem>>, vector<16xf32>,
        %get3A_211 = arith.index_cast %add3A_152 : i32 to index
        %get3A_212 = arith.constant 80 : index
        %get3A_213 = tpu.vector_load %arg11[%get3A_211, %get3A_212] {strides = array<i32>} : memref<40x128xf32, #tpu.memory_space<vmem>>, vector<16xf32>,
        %get3A_214 = arith.index_cast %add3A_152 : i32 to index
        %get3A_215 = arith.constant 80 : index
        %get3A_216 = tpu.vector_load %arg13[%get3A_214, %get3A_215] {strides = array<i32>} : memref<40x128xf32, #tpu.memory_space<vmem>>, vector<16xf32>,
        %mul3A_217 = arith.mulf %get3A_213, %get3A_216 : vector<16xf32>
        %add3A_218 = arith.constant 0 : i32
        %add3A_219 = arith.addi %add3A_218, %add3A_152 : i32
        %swap3A_220 = arith.index_cast %add3A_219 : i32 to index
        %swap3A_221 = arith.constant 80 : index
        %swap3A_222 = tpu.vector_load %arg15[%swap3A_220, %swap3A_221] {strides = array<i32>} : memref<80x128xf32, #tpu.memory_space<vmem>>, vector<16xf32>,
        tpu.vector_store %arg15[%swap3A_220, %swap3A_221], %mul3A_217 {strides = array<i32>} : memref<80x128xf32, #tpu.memory_space<vmem>>, vector<16xf32>,
        %get3A_223 = arith.index_cast %add3A_152 : i32 to index
        %get3A_224 = arith.constant 96 : index
        %get3A_225 = tpu.vector_load %arg11[%get3A_223, %get3A_224] {strides = array<i32>} : memref<40x128xf32, #tpu.memory_space<vmem>>, vector<16xf32>,
        %get3A_226 = arith.index_cast %add3A_152 : i32 to index
        %get3A_227 = arith.constant 96 : index
        %get3A_228 = tpu.vector_load %arg13[%get3A_226, %get3A_227] {strides = array<i32>} : memref<40x128xf32, #tpu.memory_space<vmem>>, vector<16xf32>,
        %mul3A_229 = arith.mulf %get3A_225, %get3A_228 : vector<16xf32>
        %add3A_230 = arith.constant 0 : i32
        %add3A_231 = arith.addi %add3A_230, %add3A_152 : i32
        %swap3A_232 = arith.index_cast %add3A_231 : i32 to index
        %swap3A_233 = arith.constant 96 : index
        %swap3A_234 = tpu.vector_load %arg15[%swap3A_232, %swap3A_233] {strides = array<i32>} : memref<80x128xf32, #tpu.memory_space<vmem>>, vector<16xf32>,
        tpu.vector_store %arg15[%swap3A_232, %swap3A_233], %mul3A_229 {strides = array<i32>} : memref<80x128xf32, #tpu.memory_space<vmem>>, vector<16xf32>,
        %get3A_235 = arith.index_cast %add3A_152 : i32 to index
        %get3A_236 = arith.constant 112 : index
        %get3A_237 = tpu.vector_load %arg11[%get3A_235, %get3A_236] {strides = array<i32>} : memref<40x128xf32, #tpu.memory_space<vmem>>, vector<16xf32>,
        %get3A_238 = arith.index_cast %add3A_152 : i32 to index
        %get3A_239 = arith.constant 112 : index
        %get3A_240 = tpu.vector_load %arg13[%get3A_238, %get3A_239] {strides = array<i32>} : memref<40x128xf32, #tpu.memory_space<vmem>>, vector<16xf32>,
        %mul3A_241 = arith.mulf %get3A_237, %get3A_240 : vector<16xf32>
        %add3A_242 = arith.constant 0 : i32
        %add3A_243 = arith.addi %add3A_242, %add3A_152 : i32
        %swap3A_244 = arith.index_cast %add3A_243 : i32 to index
        %swap3A_245 = arith.constant 112 : index
        %swap3A_246 = tpu.vector_load %arg15[%swap3A_244, %swap3A_245] {strides = array<i32>} : memref<80x128xf32, #tpu.memory_space<vmem>>, vector<16xf32>,
        tpu.vector_store %arg15[%swap3A_244, %swap3A_245], %mul3A_241 {strides = array<i32>} : memref<80x128xf32, #tpu.memory_space<vmem>>, vector<16xf32>,
      }
      %scan3A_123 = arith.constant 40 : i32
      %scan3A_124 = arith.constant 0 : i32
      %scan3A_125 = arith.constant 40 : i32
      %scan3A_126 = arith.addi %scan3A_124, %scan3A_125 : i32
      %scan3A_127 = arith.constant 1 : i32
      scf.for %scan3A_148 = %scan3A_124 to %scan3A_126 step %scan3A_127  : i32 {
        %mul3A_149 = arith.constant 1 : i32
        %mul3A_150 = arith.muli %scan3A_148, %mul3A_149 : i32
        %add3A_151 = arith.constant 0 : i32
        %add3A_152 = arith.addi %add3A_151, %mul3A_150 : i32
        %get3A = arith.index_cast %add3A_152 : i32 to index
        %get3A_153 = arith.constant 0 : index
        %get3A_154 = tpu.vector_load %arg12[%get3A, %get3A_153] {strides = array<i32>} : memref<40x128xf32, #tpu.memory_space<vmem>>, vector<16xf32>,
        %get3A_155 = arith.index_cast %add3A_152 : i32 to index
        %get3A_156 = arith.constant 0 : index
        %get3A_157 = tpu.vector_load %arg14[%get3A_155, %get3A_156] {strides = array<i32>} : memref<40x128xf32, #tpu.memory_space<vmem>>, vector<16xf32>,
        %mul3A_158 = arith.mulf %get3A_154, %get3A_157 : vector<16xf32>
        %add3A_159 = arith.constant 40 : i32
        %add3A_160 = arith.addi %add3A_159, %add3A_152 : i32
        %swap3A = arith.index_cast %add3A_160 : i32 to index
        %swap3A_161 = arith.constant 0 : index
        %swap3A_162 = tpu.vector_load %arg15[%swap3A, %swap3A_161] {strides = array<i32>} : memref<80x128xf32, #tpu.memory_space<vmem>>, vector<16xf32>,
        tpu.vector_store %arg15[%swap3A, %swap3A_161], %mul3A_158 {strides = array<i32>} : memref<80x128xf32, #tpu.memory_space<vmem>>, vector<16xf32>,
        %get3A_163 = arith.index_cast %add3A_152 : i32 to index
        %get3A_164 = arith.constant 16 : index
        %get3A_165 = tpu.vector_load %arg12[%get3A_163, %get3A_164] {strides = array<i32>} : memref<40x128xf32, #tpu.memory_space<vmem>>, vector<16xf32>,
        %get3A_166 = arith.index_cast %add3A_152 : i32 to index
        %get3A_167 = arith.constant 16 : index
        %get3A_168 = tpu.vector_load %arg14[%get3A_166, %get3A_167] {strides = array<i32>} : memref<40x128xf32, #tpu.memory_space<vmem>>, vector<16xf32>,
        %mul3A_169 = arith.mulf %get3A_165, %get3A_168 : vector<16xf32>
        %add3A_170 = arith.constant 40 : i32
        %add3A_171 = arith.addi %add3A_170, %add3A_152 : i32
        %swap3A_172 = arith.index_cast %add3A_171 : i32 to index
        %swap3A_173 = arith.constant 16 : index
        %swap3A_174 = tpu.vector_load %arg15[%swap3A_172, %swap3A_173] {strides = array<i32>} : memref<80x128xf32, #tpu.memory_space<vmem>>, vector<16xf32>,
        tpu.vector_store %arg15[%swap3A_172, %swap3A_173], %mul3A_169 {strides = array<i32>} : memref<80x128xf32, #tpu.memory_space<vmem>>, vector<16xf32>,
        %get3A_175 = arith.index_cast %add3A_152 : i32 to index
        %get3A_176 = arith.constant 32 : index
        %get3A_177 = tpu.vector_load %arg12[%get3A_175, %get3A_176] {strides = array<i32>} : memref<40x128xf32, #tpu.memory_space<vmem>>, vector<16xf32>,
        %get3A_178 = arith.index_cast %add3A_152 : i32 to index
        %get3A_179 = arith.constant 32 : index
        %get3A_180 = tpu.vector_load %arg14[%get3A_178, %get3A_179] {strides = array<i32>} : memref<40x128xf32, #tpu.memory_space<vmem>>, vector<16xf32>,
        %mul3A_181 = arith.mulf %get3A_177, %get3A_180 : vector<16xf32>
        %add3A_182 = arith.constant 40 : i32
        %add3A_183 = arith.addi %add3A_182, %add3A_152 : i32
        %swap3A_184 = arith.index_cast %add3A_183 : i32 to index
        %swap3A_185 = arith.constant 32 : index
        %swap3A_186 = tpu.vector_load %arg15[%swap3A_184, %swap3A_185] {strides = array<i32>} : memref<80x128xf32, #tpu.memory_space<vmem>>, vector<16xf32>,
        tpu.vector_store %arg15[%swap3A_184, %swap3A_185], %mul3A_181 {strides = array<i32>} : memref<80x128xf32, #tpu.memory_space<vmem>>, vector<16xf32>,
        %get3A_187 = arith.index_cast %add3A_152 : i32 to index
        %get3A_188 = arith.constant 48 : index
        %get3A_189 = tpu.vector_load %arg12[%get3A_187, %get3A_188] {strides = array<i32>} : memref<40x128xf32, #tpu.memory_space<vmem>>, vector<16xf32>,
        %get3A_190 = arith.index_cast %add3A_152 : i32 to index
        %get3A_191 = arith.constant 48 : index
        %get3A_192 = tpu.vector_load %arg14[%get3A_190, %get3A_191] {strides = array<i32>} : memref<40x128xf32, #tpu.memory_space<vmem>>, vector<16xf32>,
        %mul3A_193 = arith.mulf %get3A_189, %get3A_192 : vector<16xf32>
        %add3A_194 = arith.constant 40 : i32
        %add3A_195 = arith.addi %add3A_194, %add3A_152 : i32
        %swap3A_196 = arith.index_cast %add3A_195 : i32 to index
        %swap3A_197 = arith.constant 48 : index
        %swap3A_198 = tpu.vector_load %arg15[%swap3A_196, %swap3A_197] {strides = array<i32>} : memref<80x128xf32, #tpu.memory_space<vmem>>, vector<16xf32>,
        tpu.vector_store %arg15[%swap3A_196, %swap3A_197], %mul3A_193 {strides = array<i32>} : memref<80x128xf32, #tpu.memory_space<vmem>>, vector<16xf32>,
        %get3A_199 = arith.index_cast %add3A_152 : i32 to index
        %get3A_200 = arith.constant 64 : index
        %get3A_201 = tpu.vector_load %arg12[%get3A_199, %get3A_200] {strides = array<i32>} : memref<40x128xf32, #tpu.memory_space<vmem>>, vector<16xf32>,
        %get3A_202 = arith.index_cast %add3A_152 : i32 to index
        %get3A_203 = arith.constant 64 : index
        %get3A_204 = tpu.vector_load %arg14[%get3A_202, %get3A_203] {strides = array<i32>} : memref<40x128xf32, #tpu.memory_space<vmem>>, vector<16xf32>,
        %mul3A_205 = arith.mulf %get3A_201, %get3A_204 : vector<16xf32>
        %add3A_206 = arith.constant 40 : i32
        %add3A_207 = arith.addi %add3A_206, %add3A_152 : i32
        %swap3A_208 = arith.index_cast %add3A_207 : i32 to index
        %swap3A_209 = arith.constant 64 : index
        %swap3A_210 = tpu.vector_load %arg15[%swap3A_208, %swap3A_209] {strides = array<i32>} : memref<80x128xf32, #tpu.memory_space<vmem>>, vector<16xf32>,
        tpu.vector_store %arg15[%swap3A_208, %swap3A_209], %mul3A_205 {strides = array<i32>} : memref<80x128xf32, #tpu.memory_space<vmem>>, vector<16xf32>,
        %get3A_211 = arith.index_cast %add3A_152 : i32 to index
        %get3A_212 = arith.constant 80 : index
        %get3A_213 = tpu.vector_load %arg12[%get3A_211, %get3A_212] {strides = array<i32>} : memref<40x128xf32, #tpu.memory_space<vmem>>, vector<16xf32>,
        %get3A_214 = arith.index_cast %add3A_152 : i32 to index
        %get3A_215 = arith.constant 80 : index
        %get3A_216 = tpu.vector_load %arg14[%get3A_214, %get3A_215] {strides = array<i32>} : memref<40x128xf32, #tpu.memory_space<vmem>>, vector<16xf32>,
        %mul3A_217 = arith.mulf %get3A_213, %get3A_216 : vector<16xf32>
        %add3A_218 = arith.constant 40 : i32
        %add3A_219 = arith.addi %add3A_218, %add3A_152 : i32
        %swap3A_220 = arith.index_cast %add3A_219 : i32 to index
        %swap3A_221 = arith.constant 80 : index
        %swap3A_222 = tpu.vector_load %arg15[%swap3A_220, %swap3A_221] {strides = array<i32>} : memref<80x128xf32, #tpu.memory_space<vmem>>, vector<16xf32>,
        tpu.vector_store %arg15[%swap3A_220, %swap3A_221], %mul3A_217 {strides = array<i32>} : memref<80x128xf32, #tpu.memory_space<vmem>>, vector<16xf32>,
        %get3A_223 = arith.index_cast %add3A_152 : i32 to index
        %get3A_224 = arith.constant 96 : index
        %get3A_225 = tpu.vector_load %arg12[%get3A_223, %get3A_224] {strides = array<i32>} : memref<40x128xf32, #tpu.memory_space<vmem>>, vector<16xf32>,
        %get3A_226 = arith.index_cast %add3A_152 : i32 to index
        %get3A_227 = arith.constant 96 : index
        %get3A_228 = tpu.vector_load %arg14[%get3A_226, %get3A_227] {strides = array<i32>} : memref<40x128xf32, #tpu.memory_space<vmem>>, vector<16xf32>,
        %mul3A_229 = arith.mulf %get3A_225, %get3A_228 : vector<16xf32>
        %add3A_230 = arith.constant 40 : i32
        %add3A_231 = arith.addi %add3A_230, %add3A_152 : i32
        %swap3A_232 = arith.index_cast %add3A_231 : i32 to index
        %swap3A_233 = arith.constant 96 : index
        %swap3A_234 = tpu.vector_load %arg15[%swap3A_232, %swap3A_233] {strides = array<i32>} : memref<80x128xf32, #tpu.memory_space<vmem>>, vector<16xf32>,
        tpu.vector_store %arg15[%swap3A_232, %swap3A_233], %mul3A_229 {strides = array<i32>} : memref<80x128xf32, #tpu.memory_space<vmem>>, vector<16xf32>,
        %get3A_235 = arith.index_cast %add3A_152 : i32 to index
        %get3A_236 = arith.constant 112 : index
        %get3A_237 = tpu.vector_load %arg12[%get3A_235, %get3A_236] {strides = array<i32>} : memref<40x128xf32, #tpu.memory_space<vmem>>, vector<16xf32>,
        %get3A_238 = arith.index_cast %add3A_152 : i32 to index
        %get3A_239 = arith.constant 112 : index
        %get3A_240 = tpu.vector_load %arg14[%get3A_238, %get3A_239] {strides = array<i32>} : memref<40x128xf32, #tpu.memory_space<vmem>>, vector<16xf32>,
        %mul3A_241 = arith.mulf %get3A_237, %get3A_240 : vector<16xf32>
        %add3A_242 = arith.constant 40 : i32
        %add3A_243 = arith.addi %add3A_242, %add3A_152 : i32
        %swap3A_244 = arith.index_cast %add3A_243 : i32 to index
        %swap3A_245 = arith.constant 112 : index
        %swap3A_246 = tpu.vector_load %arg15[%swap3A_244, %swap3A_245] {strides = array<i32>} : memref<80x128xf32, #tpu.memory_space<vmem>>, vector<16xf32>,
        tpu.vector_store %arg15[%swap3A_244, %swap3A_245], %mul3A_241 {strides = array<i32>} : memref<80x128xf32, #tpu.memory_space<vmem>>, vector<16xf32>,
      }
      %scan3A_128 = arith.constant 40 : i32
      %dma_wait3A_129 = tpu.memref_slice %arg4[%mul3A_2] : memref<320000xi32, #tpu.memory_space<hbm>> -> memref<80xi32, #tpu.memory_space<hbm>>
      %dma_wait3A_130 = tpu.memref_slice %arg4[%mul3A_2] : memref<320000xi32, #tpu.memory_space<hbm>> -> memref<80xi32, #tpu.memory_space<hbm>>
      tpu.wait_dma2 semaphore(%arg21 : memref<!tpu.dma_semaphore, #tpu.memory_space<semaphore_mem>>) src(%dma_wait3A_130 : memref<80xi32, #tpu.memory_space<hbm>>) dst(%arg7 : memref<80xi32, #tpu.memory_space<vmem>>)
      %eq3A_131 = arith.constant 124 : i32
      %eq3A_132 = arith.cmpi eq, %add3A_58, %eq3A_131 : i32
      %not3A_133 = arith.constant true
      %not3A_134 = arith.xori %eq3A_132, %not3A_133 : i1
      %and3A_135 = arith.andi %eq3A_62, %not3A_134 : i1
      %convert_element_type3A_136 = arith.extui %and3A_135 : i1 to i32
      %cond3A_137 = arith.constant 0 : i32
      %cond3A_138 = arith.cmpi ne, %convert_element_type3A_136, %cond3A_137 : i32
      scf.if %cond3A_138 {
        %dma_start3A_148 = arith.constant 0 : i32
        %dma_start3A_149 = arith.constant 0 : i32
        %dma_start3A_150 = tpu.memref_slice %arg16[%dma_start3A_148, %dma_start3A_149] : memref<10000x128xf32, #tpu.memory_space<vmem_shared>> -> memref<10000x128xf32, #tpu.memory_space<vmem_shared>>
        tpu.enqueue_indirect_dma source(%arg15 : memref<80x128xf32, #tpu.memory_space<vmem>>) target(%dma_start3A_150 : memref<10000x128xf32, #tpu.memory_space<vmem_shared>>) offsets(%arg7 : memref<80xi32, #tpu.memory_space<vmem>>) semaphore(%arg19 : memref<!tpu.dma_semaphore, #tpu.memory_space<semaphore_mem>>) {add = true}
      } else {
      }
      %not3A_139 = arith.constant true
      %not3A_140 = arith.xori %eq3A_132, %not3A_139 : i1
      %and3A_141 = arith.andi %not3A_63, %not3A_140 : i1
      %convert_element_type3A_142 = arith.extui %and3A_141 : i1 to i32
      %cond3A_143 = arith.constant 0 : i32
      %cond3A_144 = arith.cmpi ne, %convert_element_type3A_142, %cond3A_143 : i32
      scf.if %cond3A_144 {
        %dma_start3A_148 = arith.constant 0 : i32
        %dma_start3A_149 = arith.constant 0 : i32
        %dma_start3A_150 = tpu.memref_slice %arg16[%dma_start3A_148, %dma_start3A_149] : memref<10000x128xf32, #tpu.memory_space<vmem_shared>> -> memref<10000x128xf32, #tpu.memory_space<vmem_shared>>
        tpu.enqueue_indirect_dma source(%arg15 : memref<80x128xf32, #tpu.memory_space<vmem>>) target(%dma_start3A_150 : memref<10000x128xf32, #tpu.memory_space<vmem_shared>>) offsets(%arg8 : memref<80xi32, #tpu.memory_space<vmem>>) semaphore(%arg19 : memref<!tpu.dma_semaphore, #tpu.memory_space<semaphore_mem>>) {add = true}
      } else {
      }
      %convert_element_type3A_145 = arith.extui %eq3A_132 : i1 to i32
      %cond3A_146 = arith.constant 0 : i32
      %cond3A_147 = arith.cmpi ne, %convert_element_type3A_145, %cond3A_146 : i32
      scf.if %cond3A_147 {
        "tpu.region"() ({
          %run_scoped3A = tpu.sem_alloc : memref<!tpu.dma_semaphore, #tpu.memory_space<semaphore_mem>>
          %dma_start3A_148 = arith.constant 0 : i32
          %dma_start3A_149 = arith.constant 0 : i32
          %dma_start3A_150 = tpu.memref_slice %arg16[%dma_start3A_148, %dma_start3A_149] : memref<10000x128xf32, #tpu.memory_space<vmem_shared>> -> memref<10000x128xf32, #tpu.memory_space<vmem_shared>>
          tpu.enqueue_indirect_dma source(%arg15 : memref<80x128xf32, #tpu.memory_space<vmem>>) target(%dma_start3A_150 : memref<10000x128xf32, #tpu.memory_space<vmem_shared>>) offsets(%arg7 : memref<80xi32, #tpu.memory_space<vmem>>) semaphore(%run_scoped3A : memref<!tpu.dma_semaphore, #tpu.memory_space<semaphore_mem>>) {add = true}
          %dma_wait3A_151 = arith.constant 0 : i32
          %dma_wait3A_152 = arith.constant 0 : i32
          %dma_wait3A_153 = tpu.memref_slice %arg16[%dma_wait3A_151, %dma_wait3A_152] : memref<10000x128xf32, #tpu.memory_space<vmem_shared>> -> memref<10000x128xf32, #tpu.memory_space<vmem_shared>>
          tpu.wait_indirect_dma semaphore(%run_scoped3A : memref<!tpu.dma_semaphore, #tpu.memory_space<semaphore_mem>>) src(%arg15 : memref<80x128xf32, #tpu.memory_space<vmem>>) dst(%dma_wait3A_153 : memref<10000x128xf32, #tpu.memory_space<vmem_shared>>)
          tpu.yield
        }) : () -> ()
      } else {
      }
    }
    %scan3A_50 = arith.constant 125 : i32
    %barrier3A_51 = arith.constant 0 : index
    tpu.barrier barrier_id(%barrier3A_51)
    %mul3A_52 = arith.constant 625 : i32
    %mul3A_53 = arith.muli %arg1, %mul3A_52 : i32
    "tpu.region"() ({
      %run_scoped3A = tpu.sem_alloc : memref<!tpu.dma_semaphore, #tpu.memory_space<semaphore_mem>>
      %dma_start3A_54 = arith.constant 0 : i32
      %dma_start3A_55 = arith.constant 0 : i32
      %dma_start3A_56 = tpu.memref_slice %arg6[%arg0, %arg1, %dma_start3A_54, %dma_start3A_55] : memref<2x16x625x128xf32, #tpu.memory_space<hbm>> -> memref<1x1x625x128xf32, #tpu.memory_space<hbm>>
      %dma_start3A_57 = tpu.memref_squeeze %dma_start3A_56 : memref<1x1x625x128xf32, #tpu.memory_space<hbm>> -> memref<625x128xf32, #tpu.memory_space<hbm>>
      %dma_start3A_58 = arith.constant 0 : i32
      %dma_start3A_59 = tpu.memref_slice %arg16[%mul3A_53, %dma_start3A_58] : memref<10000x128xf32, #tpu.memory_space<vmem_shared>> -> memref<625x128xf32, #tpu.memory_space<vmem_shared>>
      tpu.enqueue_dma source(%dma_start3A_59 : memref<625x128xf32, #tpu.memory_space<vmem_shared>>) target(%dma_start3A_57 : memref<625x128xf32, #tpu.memory_space<hbm>>) target_semaphore(%run_scoped3A : memref<!tpu.dma_semaphore, #tpu.memory_space<semaphore_mem>>)
      %dma_wait3A = arith.constant 0 : i32
      %dma_wait3A_60 = arith.constant 0 : i32
      %dma_wait3A_61 = tpu.memref_slice %arg6[%arg0, %arg1, %dma_wait3A, %dma_wait3A_60] : memref<2x16x625x128xf32, #tpu.memory_space<hbm>> -> memref<1x1x625x128xf32, #tpu.memory_space<hbm>>
      %dma_wait3A_62 = tpu.memref_squeeze %dma_wait3A_61 : memref<1x1x625x128xf32, #tpu.memory_space<hbm>> -> memref<625x128xf32, #tpu.memory_space<hbm>>
      %dma_wait3A_63 = arith.constant 0 : i32
      %dma_wait3A_64 = tpu.memref_slice %arg16[%mul3A_53, %dma_wait3A_63] : memref<10000x128xf32, #tpu.memory_space<vmem_shared>> -> memref<625x128xf32, #tpu.memory_space<vmem_shared>>
      tpu.wait_dma2 semaphore(%run_scoped3A : memref<!tpu.dma_semaphore, #tpu.memory_space<semaphore_mem>>) src(%dma_wait3A_64 : memref<625x128xf32, #tpu.memory_space<vmem_shared>>) dst(%dma_wait3A_62 : memref<625x128xf32, #tpu.memory_space<hbm>>)
      tpu.yield
    }) : () -> ()
    return
  }
}

#map = affine_map<(d0, d1) -> (0)>
module attributes {stable_mosaic.version = 14 : i64} {
  func.func @dist2(%arg0: i32, %arg1: i32, %arg2: memref<30000xf32, #tpu.memory_space<hbm>>, %arg3: memref<320000xi32, #tpu.memory_space<hbm>>, %arg4: memref<320000xi32, #tpu.memory_space<hbm>>, %arg5: memref<320000xf32, #tpu.memory_space<hbm>>, %arg6: memref<30000xf32, #tpu.memory_space<vmem>>, %arg7: memref<2000xi32, #tpu.memory_space<vmem>>, %arg8: memref<2000xi32, #tpu.memory_space<vmem>>, %arg9: memref<2000xf32, #tpu.memory_space<vmem>>) attributes {dimension_semantics = [#tpu.dimension_semantics<core_parallel>, #tpu.dimension_semantics<subcore_parallel>], iteration_bounds = array<i64: 2, 16>, scalar_prefetch = 0 : i64, scratch_operands = 4 : i64, tpu.core_type = #tpu.core_type<sc_vector_subcore>, window_params = [{transform_indices = #map}, {transform_indices = #map}, {transform_indices = #map}, {transform_indices = #map}]} {
    %mul3A = arith.constant 2 : i32
    %mul3A_0 = arith.muli %arg1, %mul3A : i32
    %add3A = arith.addi %mul3A_0, %arg0 : i32
    %mul3A_1 = arith.constant 10000 : i32
    %mul3A_2 = arith.muli %add3A, %mul3A_1 : i32
    "tpu.region"() ({
      %run_scoped3A = tpu.sem_alloc : memref<!tpu.dma_semaphore, #tpu.memory_space<semaphore_mem>>
      tpu.enqueue_dma source(%arg2 : memref<30000xf32, #tpu.memory_space<hbm>>) target(%arg6 : memref<30000xf32, #tpu.memory_space<vmem>>) target_semaphore(%run_scoped3A : memref<!tpu.dma_semaphore, #tpu.memory_space<semaphore_mem>>)
      tpu.wait_dma2 semaphore(%run_scoped3A : memref<!tpu.dma_semaphore, #tpu.memory_space<semaphore_mem>>) src(%arg2 : memref<30000xf32, #tpu.memory_space<hbm>>) dst(%arg6 : memref<30000xf32, #tpu.memory_space<vmem>>)
      tpu.yield
    }) : () -> ()
    %scan3A = arith.constant 0 : i32
    %scan3A_3 = arith.constant 5 : i32
    %scan3A_4 = arith.addi %scan3A, %scan3A_3 : i32
    %scan3A_5 = arith.constant 1 : i32
    scf.for %scan3A_7 = %scan3A to %scan3A_4 step %scan3A_5  : i32 {
      %mul3A_8 = arith.constant 2000 : i32
      %mul3A_9 = arith.muli %scan3A_7, %mul3A_8 : i32
      %add3A_10 = arith.constant 0 : i32
      %add3A_11 = arith.addi %add3A_10, %mul3A_9 : i32
      %add3A_12 = arith.addi %mul3A_2, %add3A_11 : i32
      "tpu.region"() ({
        %run_scoped3A = tpu.sem_alloc : memref<!tpu.dma_semaphore, #tpu.memory_space<semaphore_mem>>
        %dma_start3A = tpu.memref_slice %arg3[%add3A_12] : memref<320000xi32, #tpu.memory_space<hbm>> -> memref<2000xi32, #tpu.memory_space<hbm>>
        %dma_start3A_20 = tpu.memref_slice %arg3[%add3A_12] : memref<320000xi32, #tpu.memory_space<hbm>> -> memref<2000xi32, #tpu.memory_space<hbm>>
        tpu.enqueue_dma source(%dma_start3A_20 : memref<2000xi32, #tpu.memory_space<hbm>>) target(%arg7 : memref<2000xi32, #tpu.memory_space<vmem>>) target_semaphore(%run_scoped3A : memref<!tpu.dma_semaphore, #tpu.memory_space<semaphore_mem>>)
        %dma_wait3A = tpu.memref_slice %arg3[%add3A_12] : memref<320000xi32, #tpu.memory_space<hbm>> -> memref<2000xi32, #tpu.memory_space<hbm>>
        %dma_wait3A_21 = tpu.memref_slice %arg3[%add3A_12] : memref<320000xi32, #tpu.memory_space<hbm>> -> memref<2000xi32, #tpu.memory_space<hbm>>
        tpu.wait_dma2 semaphore(%run_scoped3A : memref<!tpu.dma_semaphore, #tpu.memory_space<semaphore_mem>>) src(%dma_wait3A_21 : memref<2000xi32, #tpu.memory_space<hbm>>) dst(%arg7 : memref<2000xi32, #tpu.memory_space<vmem>>)
        tpu.yield
      }) : () -> ()
      %add3A_13 = arith.addi %mul3A_2, %add3A_11 : i32
      "tpu.region"() ({
        %run_scoped3A = tpu.sem_alloc : memref<!tpu.dma_semaphore, #tpu.memory_space<semaphore_mem>>
        %dma_start3A = tpu.memref_slice %arg4[%add3A_13] : memref<320000xi32, #tpu.memory_space<hbm>> -> memref<2000xi32, #tpu.memory_space<hbm>>
        %dma_start3A_20 = tpu.memref_slice %arg4[%add3A_13] : memref<320000xi32, #tpu.memory_space<hbm>> -> memref<2000xi32, #tpu.memory_space<hbm>>
        tpu.enqueue_dma source(%dma_start3A_20 : memref<2000xi32, #tpu.memory_space<hbm>>) target(%arg8 : memref<2000xi32, #tpu.memory_space<vmem>>) target_semaphore(%run_scoped3A : memref<!tpu.dma_semaphore, #tpu.memory_space<semaphore_mem>>)
        %dma_wait3A = tpu.memref_slice %arg4[%add3A_13] : memref<320000xi32, #tpu.memory_space<hbm>> -> memref<2000xi32, #tpu.memory_space<hbm>>
        %dma_wait3A_21 = tpu.memref_slice %arg4[%add3A_13] : memref<320000xi32, #tpu.memory_space<hbm>> -> memref<2000xi32, #tpu.memory_space<hbm>>
        tpu.wait_dma2 semaphore(%run_scoped3A : memref<!tpu.dma_semaphore, #tpu.memory_space<semaphore_mem>>) src(%dma_wait3A_21 : memref<2000xi32, #tpu.memory_space<hbm>>) dst(%arg8 : memref<2000xi32, #tpu.memory_space<vmem>>)
        tpu.yield
      }) : () -> ()
      %scan3A_14 = arith.constant 0 : i32
      %scan3A_15 = arith.constant 125 : i32
      %scan3A_16 = arith.addi %scan3A_14, %scan3A_15 : i32
      %scan3A_17 = arith.constant 1 : i32
      scf.for %scan3A_20 = %scan3A_14 to %scan3A_16 step %scan3A_17  : i32 {
        %mul3A_21 = arith.constant 16 : i32
        %mul3A_22 = arith.muli %scan3A_20, %mul3A_21 : i32
        %add3A_23 = arith.constant 0 : i32
        %add3A_24 = arith.addi %add3A_23, %mul3A_22 : i32
        %get3A = arith.index_cast %add3A_24 : i32 to index
        %get3A_25 = tpu.vector_load %arg7[%get3A] {strides = array<i32>} : memref<2000xi32, #tpu.memory_space<vmem>>, vector<16xi32>,
        %mul3A_26 = arith.constant 3 : i32
        %mul3A_27 = vector.broadcast %mul3A_26 : i32 to vector<16xi32>
        %mul3A_28 = arith.muli %get3A_25, %mul3A_27 : vector<16xi32>
        %get3A_29 = arith.index_cast %add3A_24 : i32 to index
        %get3A_30 = tpu.vector_load %arg8[%get3A_29] {strides = array<i32>} : memref<2000xi32, #tpu.memory_space<vmem>>, vector<16xi32>,
        %mul3A_31 = arith.constant 3 : i32
        %mul3A_32 = vector.broadcast %mul3A_31 : i32 to vector<16xi32>
        %mul3A_33 = arith.muli %get3A_30, %mul3A_32 : vector<16xi32>
        %gather3A = tpu.vector_load_idx %arg6[%mul3A_28] : memref<30000xf32, #tpu.memory_space<vmem>>[vector<16xi32>], vector<16xf32>,
        %gather3A_34 = tpu.vector_load_idx %arg6[%mul3A_33] : memref<30000xf32, #tpu.memory_space<vmem>>[vector<16xi32>], vector<16xf32>,
        %sub3A = arith.subf %gather3A, %gather3A_34 : vector<16xf32>
        %add3A_35 = arith.constant 1 : i32
        %add3A_36 = vector.broadcast %add3A_35 : i32 to vector<16xi32>
        %add3A_37 = arith.addi %mul3A_28, %add3A_36 : vector<16xi32>
        %gather3A_38 = tpu.vector_load_idx %arg6[%add3A_37] : memref<30000xf32, #tpu.memory_space<vmem>>[vector<16xi32>], vector<16xf32>,
        %add3A_39 = arith.constant 1 : i32
        %add3A_40 = vector.broadcast %add3A_39 : i32 to vector<16xi32>
        %add3A_41 = arith.addi %mul3A_33, %add3A_40 : vector<16xi32>
        %gather3A_42 = tpu.vector_load_idx %arg6[%add3A_41] : memref<30000xf32, #tpu.memory_space<vmem>>[vector<16xi32>], vector<16xf32>,
        %sub3A_43 = arith.subf %gather3A_38, %gather3A_42 : vector<16xf32>
        %add3A_44 = arith.constant 2 : i32
        %add3A_45 = vector.broadcast %add3A_44 : i32 to vector<16xi32>
        %add3A_46 = arith.addi %mul3A_28, %add3A_45 : vector<16xi32>
        %gather3A_47 = tpu.vector_load_idx %arg6[%add3A_46] : memref<30000xf32, #tpu.memory_space<vmem>>[vector<16xi32>], vector<16xf32>,
        %add3A_48 = arith.constant 2 : i32
        %add3A_49 = vector.broadcast %add3A_48 : i32 to vector<16xi32>
        %add3A_50 = arith.addi %mul3A_33, %add3A_49 : vector<16xi32>
        %gather3A_51 = tpu.vector_load_idx %arg6[%add3A_50] : memref<30000xf32, #tpu.memory_space<vmem>>[vector<16xi32>], vector<16xf32>,
        %sub3A_52 = arith.subf %gather3A_47, %gather3A_51 : vector<16xf32>
        %mul3A_53 = arith.mulf %sub3A, %sub3A : vector<16xf32>
        %mul3A_54 = arith.mulf %sub3A_43, %sub3A_43 : vector<16xf32>
        %add3A_55 = arith.addf %mul3A_53, %mul3A_54 : vector<16xf32>
        %mul3A_56 = arith.mulf %sub3A_52, %sub3A_52 : vector<16xf32>
        %add3A_57 = arith.addf %add3A_55, %mul3A_56 : vector<16xf32>
        %swap3A = arith.index_cast %add3A_24 : i32 to index
        %swap3A_58 = tpu.vector_load %arg9[%swap3A] {strides = array<i32>} : memref<2000xf32, #tpu.memory_space<vmem>>, vector<16xf32>,
        tpu.vector_store %arg9[%swap3A], %add3A_57 {strides = array<i32>} : memref<2000xf32, #tpu.memory_space<vmem>>, vector<16xf32>,
      }
      %scan3A_18 = arith.constant 125 : i32
      %add3A_19 = arith.addi %mul3A_2, %add3A_11 : i32
      "tpu.region"() ({
        %run_scoped3A = tpu.sem_alloc : memref<!tpu.dma_semaphore, #tpu.memory_space<semaphore_mem>>
        %dma_start3A = tpu.memref_slice %arg5[%add3A_19] : memref<320000xf32, #tpu.memory_space<hbm>> -> memref<2000xf32, #tpu.memory_space<hbm>>
        %dma_start3A_20 = tpu.memref_slice %arg5[%add3A_19] : memref<320000xf32, #tpu.memory_space<hbm>> -> memref<2000xf32, #tpu.memory_space<hbm>>
        tpu.enqueue_dma source(%arg9 : memref<2000xf32, #tpu.memory_space<vmem>>) target(%dma_start3A_20 : memref<2000xf32, #tpu.memory_space<hbm>>) target_semaphore(%run_scoped3A : memref<!tpu.dma_semaphore, #tpu.memory_space<semaphore_mem>>)
        %dma_wait3A = tpu.memref_slice %arg5[%add3A_19] : memref<320000xf32, #tpu.memory_space<hbm>> -> memref<2000xf32, #tpu.memory_space<hbm>>
        %dma_wait3A_21 = tpu.memref_slice %arg5[%add3A_19] : memref<320000xf32, #tpu.memory_space<hbm>> -> memref<2000xf32, #tpu.memory_space<hbm>>
        tpu.wait_dma2 semaphore(%run_scoped3A : memref<!tpu.dma_semaphore, #tpu.memory_space<semaphore_mem>>) src(%arg9 : memref<2000xf32, #tpu.memory_space<vmem>>) dst(%dma_wait3A_21 : memref<2000xf32, #tpu.memory_space<hbm>>)
        tpu.yield
      }) : () -> ()
    }
    %scan3A_6 = arith.constant 5 : i32
    return
  }
}

module attributes {stable_mosaic.version = 14 : i64} {
  func.func @_filter_body(%arg0: i32, %arg1: memref<1x1x2000xf32, #tpu.memory_space<vmem>>, %arg2: memref<50x128xf32, #tpu.memory_space<vmem>>, %arg3: memref<1x128xf32, #tpu.memory_space<vmem>>, %arg4: memref<128x128xf32, #tpu.memory_space<vmem>>, %arg5: memref<1x128xf32, #tpu.memory_space<vmem>>, %arg6: memref<2000x128xf32, #tpu.memory_space<vmem>>) attributes {dimension_semantics = [#tpu.dimension_semantics<arbitrary>], iteration_bounds = array<i64: 160>, scalar_prefetch = 0 : i64, scratch_operands = 0 : i64, tpu.core_type = #tpu.core_type<tc>, window_params = [{transform_indices = @transform_0, window_bounds = array<i64: 1, 1, 2000>}, {pipeline_mode = #tpu.pipeline_mode<synchronous>, transform_indices = @transform_1, window_bounds = array<i64: 50, 128>}, {pipeline_mode = #tpu.pipeline_mode<synchronous>, transform_indices = @transform_2, window_bounds = array<i64: 1, 128>}, {pipeline_mode = #tpu.pipeline_mode<synchronous>, transform_indices = @transform_3, window_bounds = array<i64: 128, 128>}, {pipeline_mode = #tpu.pipeline_mode<synchronous>, transform_indices = @transform_4, window_bounds = array<i64: 1, 128>}, {transform_indices = @transform_5, window_bounds = array<i64: 2000, 128>}]} {
    %get3A = arith.constant 0 : index
    %get3A_0 = arith.constant 0 : index
    %get3A_1 = arith.constant 0 : index
    %get3A_2 = vector.load %arg1[%get3A, %get3A_0, %get3A_1] : memref<1x1x2000xf32, #tpu.memory_space<vmem>>, vector<1x1x2000xf32>
    %reshape3A = vector.shape_cast %get3A_2 : vector<1x1x2000xf32> to vector<1x2000xf32>
    %mul3A = arith.constant 4.000000e-02 : f32
    %mul3A_3 = vector.broadcast %mul3A : f32 to vector<1x2000xf32>
    %mul3A_4 = arith.mulf %reshape3A, %mul3A_3 : vector<1x2000xf32>
    %broadcast_in_dim3A = arith.constant 3.59431396E-9 : f32
    %broadcast_in_dim3A_5 = vector.broadcast %broadcast_in_dim3A : f32 to vector<1x2000xf32>
    %mul3A_6 = arith.mulf %broadcast_in_dim3A_5, %mul3A_4 : vector<1x2000xf32>
    %add3A = arith.constant -1.38789531E-7 : f32
    %add3A_7 = vector.broadcast %add3A : f32 to vector<1x2000xf32>
    %add3A_8 = arith.addf %mul3A_6, %add3A_7 : vector<1x2000xf32>
    %mul3A_9 = arith.mulf %add3A_8, %mul3A_4 : vector<1x2000xf32>
    %add3A_10 = arith.constant 4.30306955E-6 : f32
    %add3A_11 = vector.broadcast %add3A_10 : f32 to vector<1x2000xf32>
    %add3A_12 = arith.addf %mul3A_9, %add3A_11 : vector<1x2000xf32>
    %mul3A_13 = arith.mulf %add3A_12, %mul3A_4 : vector<1x2000xf32>
    %add3A_14 = arith.constant -1.04638108E-4 : f32
    %add3A_15 = vector.broadcast %add3A_14 : f32 to vector<1x2000xf32>
    %add3A_16 = arith.addf %mul3A_13, %add3A_15 : vector<1x2000xf32>
    %mul3A_17 = arith.mulf %add3A_16, %mul3A_4 : vector<1x2000xf32>
    %add3A_18 = arith.constant 0.0019295743 : f32
    %add3A_19 = vector.broadcast %add3A_18 : f32 to vector<1x2000xf32>
    %add3A_20 = arith.addf %mul3A_17, %add3A_19 : vector<1x2000xf32>
    %mul3A_21 = arith.mulf %add3A_20, %mul3A_4 : vector<1x2000xf32>
    %add3A_22 = arith.constant -0.0258068908 : f32
    %add3A_23 = vector.broadcast %add3A_22 : f32 to vector<1x2000xf32>
    %add3A_24 = arith.addf %mul3A_21, %add3A_23 : vector<1x2000xf32>
    %mul3A_25 = arith.mulf %add3A_24, %mul3A_4 : vector<1x2000xf32>
    %add3A_26 = arith.constant 0.235330626 : f32
    %add3A_27 = vector.broadcast %add3A_26 : f32 to vector<1x2000xf32>
    %add3A_28 = arith.addf %mul3A_25, %add3A_27 : vector<1x2000xf32>
    %mul3A_29 = arith.mulf %add3A_28, %mul3A_4 : vector<1x2000xf32>
    %add3A_30 = arith.constant -1.33526278 : f32
    %add3A_31 = vector.broadcast %add3A_30 : f32 to vector<1x2000xf32>
    %add3A_32 = arith.addf %mul3A_29, %add3A_31 : vector<1x2000xf32>
    %mul3A_33 = arith.mulf %add3A_32, %mul3A_4 : vector<1x2000xf32>
    %add3A_34 = arith.constant 4.05871201 : f32
    %add3A_35 = vector.broadcast %add3A_34 : f32 to vector<1x2000xf32>
    %add3A_36 = arith.addf %mul3A_33, %add3A_35 : vector<1x2000xf32>
    %mul3A_37 = arith.mulf %add3A_36, %mul3A_4 : vector<1x2000xf32>
    %add3A_38 = arith.constant -4.93480206 : f32
    %add3A_39 = vector.broadcast %add3A_38 : f32 to vector<1x2000xf32>
    %add3A_40 = arith.addf %mul3A_37, %add3A_39 : vector<1x2000xf32>
    %mul3A_41 = arith.mulf %add3A_40, %mul3A_4 : vector<1x2000xf32>
    %add3A_42 = arith.constant 1.000000e+00 : f32
    %add3A_43 = vector.broadcast %add3A_42 : f32 to vector<1x2000xf32>
    %add3A_44 = arith.addf %mul3A_41, %add3A_43 : vector<1x2000xf32>
    %add3A_45 = arith.constant 1.000000e+00 : f32
    %add3A_46 = vector.broadcast %add3A_45 : f32 to vector<1x2000xf32>
    %add3A_47 = arith.addf %add3A_44, %add3A_46 : vector<1x2000xf32>
    %mul3A_48 = arith.constant 5.000000e-01 : f32
    %mul3A_49 = vector.broadcast %mul3A_48 : f32 to vector<1x2000xf32>
    %mul3A_50 = arith.mulf %mul3A_49, %add3A_47 : vector<1x2000xf32>
    %le3A = arith.constant 2.500000e+01 : f32
    %le3A_51 = vector.broadcast %le3A : f32 to vector<1x2000xf32>
    %le3A_52 = arith.cmpf ole, %reshape3A, %le3A_51 : vector<1x2000xf32>
    %jit3A = arith.constant 0.000000e+00 : f32
    %broadcast_in_dim3A_53 = vector.broadcast %jit3A : f32 to vector<1x2000xf32>
    %select_n3A = arith.select %le3A_52, %mul3A_50, %broadcast_in_dim3A_53 : vector<1x2000xi1>, vector<1x2000xf32>
    %add3A_54 = arith.constant 9.99999993E-9 : f32
    %add3A_55 = vector.broadcast %add3A_54 : f32 to vector<1x2000xf32>
    %add3A_56 = arith.addf %reshape3A, %add3A_55 : vector<1x2000xf32>
    %sqrt3A = math.sqrt %add3A_56 : vector<1x2000xf32>
    %mul3A_57 = arith.constant 6.92964649 : f32
    %mul3A_58 = vector.broadcast %mul3A_57 : f32 to vector<1x2000xf32>
    %mul3A_59 = arith.mulf %sqrt3A, %mul3A_58 : vector<1x2000xf32>
    %concatenate3A = tpu.concatenate %mul3A_59, %select_n3A in 0 : vector<1x2000xf32>, vector<1x2000xf32> -> vector<2x2000xf32>
    %transpose3A = tpu.transpose %concatenate3A, [1, 0] : vector<2x2000xf32> -> vector<2000x2xf32>
    %slice3A = vector.extract_strided_slice %transpose3A {offsets = [0, 0], sizes = [2000, 1], strides = [1, 1]} : vector<2000x2xf32> to vector<2000x1xf32>
    %slice3A_60 = vector.extract_strided_slice %transpose3A {offsets = [0, 1], sizes = [2000, 1], strides = [1, 1]} : vector<2000x2xf32> to vector<2000x1xf32>
    %iota3A = tpu.iota {dimensions = array<i32: 1>} : vector<1x50xi32>
    %convert_element_type3A = arith.sitofp %iota3A : vector<1x50xi32> to vector<1x50xf32>
    %mul3A_61 = arith.constant 0.707106769 : f32
    %mul3A_62 = vector.broadcast %mul3A_61 : f32 to vector<1x50xf32>
    %mul3A_63 = arith.mulf %convert_element_type3A, %mul3A_62 : vector<1x50xf32>
    %sub3A = vector.broadcast %slice3A : vector<2000x1xf32> to vector<2000x50xf32>
    %sub3A_64 = vector.broadcast %mul3A_63 : vector<1x50xf32> to vector<2000x50xf32>
    %sub3A_65 = arith.subf %sub3A, %sub3A_64 : vector<2000x50xf32>
    %sub3A_66 = vector.broadcast %mul3A_63 : vector<1x50xf32> to vector<2000x50xf32>
    %sub3A_67 = vector.broadcast %slice3A : vector<2000x1xf32> to vector<2000x50xf32>
    %sub3A_68 = arith.subf %sub3A_66, %sub3A_67 : vector<2000x50xf32>
    %mul3A_69 = arith.mulf %sub3A_65, %sub3A_68 : vector<2000x50xf32>
    %exp3A = math.exp %mul3A_69 : vector<2000x50xf32>
    %get3A_70 = arith.constant 0 : index
    %get3A_71 = arith.constant 0 : index
    %get3A_72 = vector.load %arg2[%get3A_70, %get3A_71] : memref<50x128xf32, #tpu.memory_space<vmem>>, vector<50x128xf32>
    %dot_general3A = arith.constant dense<0.000000e+00> : vector<2000x128xf32>
    %dot_general3A_73 = tpu.matmul %exp3A, %get3A_72, %dot_general3A {dimension_numbers = #tpu.dot_dimension_numbers<[1], [0], [0], [1], [0, 0, 1, 1], [], []>, transpose_lhs_hint = false} : vector<2000x50xf32>, vector<50x128xf32>, vector<2000x128xf32> -> vector<2000x128xf32>
    %get3A_74 = arith.constant 0 : index
    %get3A_75 = arith.constant 0 : index
    %get3A_76 = vector.load %arg3[%get3A_74, %get3A_75] : memref<1x128xf32, #tpu.memory_space<vmem>>, vector<1x128xf32>
    %add3A_77 = vector.broadcast %get3A_76 : vector<1x128xf32> to vector<2000x128xf32>
    %add3A_78 = arith.addf %dot_general3A_73, %add3A_77 : vector<2000x128xf32>
    %logistic3A = arith.negf %add3A_78 : vector<2000x128xf32>
    %logistic3A_79 = math.exp %logistic3A : vector<2000x128xf32>
    %logistic3A_80 = arith.constant 1.000000e+00 : f32
    %logistic3A_81 = vector.broadcast %logistic3A_80 : f32 to vector<2000x128xf32>
    %logistic3A_82 = arith.addf %logistic3A_81, %logistic3A_79 : vector<2000x128xf32>
    %logistic3A_83 = arith.divf %logistic3A_81, %logistic3A_82 : vector<2000x128xf32>
    %mul3A_84 = arith.mulf %add3A_78, %logistic3A_83 : vector<2000x128xf32>
    %get3A_85 = arith.constant 0 : index
    %get3A_86 = arith.constant 0 : index
    %get3A_87 = vector.load %arg4[%get3A_85, %get3A_86] : memref<128x128xf32, #tpu.memory_space<vmem>>, vector<128x128xf32>
    %dot_general3A_88 = arith.constant dense<0.000000e+00> : vector<2000x128xf32>
    %dot_general3A_89 = tpu.matmul %mul3A_84, %get3A_87, %dot_general3A_88 {dimension_numbers = #tpu.dot_dimension_numbers<[1], [0], [0], [1], [0, 0, 1, 1], [], []>, transpose_lhs_hint = false} : vector<2000x128xf32>, vector<128x128xf32>, vector<2000x128xf32> -> vector<2000x128xf32>
    %get3A_90 = arith.constant 0 : index
    %get3A_91 = arith.constant 0 : index
    %get3A_92 = vector.load %arg5[%get3A_90, %get3A_91] : memref<1x128xf32, #tpu.memory_space<vmem>>, vector<1x128xf32>
    %add3A_93 = vector.broadcast %get3A_92 : vector<1x128xf32> to vector<2000x128xf32>
    %add3A_94 = arith.addf %dot_general3A_89, %add3A_93 : vector<2000x128xf32>
    %mul3A_95 = vector.broadcast %slice3A_60 : vector<2000x1xf32> to vector<2000x128xf32>
    %mul3A_96 = arith.mulf %add3A_94, %mul3A_95 : vector<2000x128xf32>
    %swap3A = arith.constant 0 : index
    %swap3A_97 = arith.constant 0 : index
    %swap3A_98 = vector.load %arg6[%swap3A, %swap3A_97] : memref<2000x128xf32, #tpu.memory_space<vmem>>, vector<2000x128xf32>
    tpu.vector_store %arg6[%swap3A, %swap3A_97], %mul3A_96 {strides = array<i32>} : memref<2000x128xf32, #tpu.memory_space<vmem>>, vector<2000x128xf32>,
    return
  }
  func.func @transform_0(%arg0: i32) -> (i32, i32, i32) {
    %c0_i32 = arith.constant 0 : i32
    %c0_i32_0 = arith.constant 0 : i32
    %c0_i32_1 = arith.constant 0 : i32
    return %arg0, %c0_i32, %c0_i32_0 : i32, i32, i32
  }
  func.func @transform_1(%arg0: i32) -> (i32, i32) {
    %c0_i32 = arith.constant 0 : i32
    %c0_i32_0 = arith.constant 0 : i32
    %c0_i32_1 = arith.constant 0 : i32
    return %c0_i32, %c0_i32_0 : i32, i32
  }
  func.func @transform_2(%arg0: i32) -> (i32, i32) {
    %c0_i32 = arith.constant 0 : i32
    %c0_i32_0 = arith.constant 0 : i32
    %c0_i32_1 = arith.constant 0 : i32
    return %c0_i32, %c0_i32_0 : i32, i32
  }
  func.func @transform_3(%arg0: i32) -> (i32, i32) {
    %c0_i32 = arith.constant 0 : i32
    %c0_i32_0 = arith.constant 0 : i32
    %c0_i32_1 = arith.constant 0 : i32
    return %c0_i32, %c0_i32_0 : i32, i32
  }
  func.func @transform_4(%arg0: i32) -> (i32, i32) {
    %c0_i32 = arith.constant 0 : i32
    %c0_i32_0 = arith.constant 0 : i32
    %c0_i32_1 = arith.constant 0 : i32
    return %c0_i32, %c0_i32_0 : i32, i32
  }
  func.func @transform_5(%arg0: i32) -> (i32, i32) {
    %c0_i32 = arith.constant 0 : i32
    %c0_i32_0 = arith.constant 0 : i32
    return %arg0, %c0_i32 : i32, i32
  }
}

module attributes {stable_mosaic.version = 14 : i64} {
  func.func @_node_body(%arg0: i32, %arg1: memref<1000x128xf32, #tpu.memory_space<vmem>>, %arg2: memref<1000x128xf32, #tpu.memory_space<vmem>>, %arg3: memref<1000x128xf32, #tpu.memory_space<vmem>>, %arg4: memref<128x128xf32, #tpu.memory_space<vmem>>, %arg5: memref<1x128xf32, #tpu.memory_space<vmem>>, %arg6: memref<128x128xf32, #tpu.memory_space<vmem>>, %arg7: memref<1x128xf32, #tpu.memory_space<vmem>>, %arg8: memref<1000x128xf32, #tpu.memory_space<vmem>>) attributes {dimension_semantics = [#tpu.dimension_semantics<arbitrary>], iteration_bounds = array<i64: 10>, scalar_prefetch = 0 : i64, scratch_operands = 0 : i64, tpu.core_type = #tpu.core_type<tc>, window_params = [{transform_indices = @transform_0, window_bounds = array<i64: 1000, 128>}, {transform_indices = @transform_1, window_bounds = array<i64: 1000, 128>}, {transform_indices = @transform_2, window_bounds = array<i64: 1000, 128>}, {pipeline_mode = #tpu.pipeline_mode<synchronous>, transform_indices = @transform_3, window_bounds = array<i64: 128, 128>}, {pipeline_mode = #tpu.pipeline_mode<synchronous>, transform_indices = @transform_4, window_bounds = array<i64: 1, 128>}, {pipeline_mode = #tpu.pipeline_mode<synchronous>, transform_indices = @transform_5, window_bounds = array<i64: 128, 128>}, {pipeline_mode = #tpu.pipeline_mode<synchronous>, transform_indices = @transform_6, window_bounds = array<i64: 1, 128>}, {transform_indices = @transform_7, window_bounds = array<i64: 1000, 128>}]} {
    %get3A = arith.constant 0 : index
    %get3A_0 = arith.constant 0 : index
    %get3A_1 = vector.load %arg2[%get3A, %get3A_0] : memref<1000x128xf32, #tpu.memory_space<vmem>>, vector<1000x128xf32>
    %get3A_2 = arith.constant 0 : index
    %get3A_3 = arith.constant 0 : index
    %get3A_4 = vector.load %arg3[%get3A_2, %get3A_3] : memref<1000x128xf32, #tpu.memory_space<vmem>>, vector<1000x128xf32>
    %add3A = arith.addf %get3A_1, %get3A_4 : vector<1000x128xf32>
    %get3A_5 = arith.constant 0 : index
    %get3A_6 = arith.constant 0 : index
    %get3A_7 = vector.load %arg4[%get3A_5, %get3A_6] : memref<128x128xf32, #tpu.memory_space<vmem>>, vector<128x128xf32>
    %dot_general3A = arith.constant dense<0.000000e+00> : vector<1000x128xf32>
    %dot_general3A_8 = tpu.matmul %add3A, %get3A_7, %dot_general3A {dimension_numbers = #tpu.dot_dimension_numbers<[1], [0], [0], [1], [0, 0, 1, 1], [], []>, transpose_lhs_hint = false} : vector<1000x128xf32>, vector<128x128xf32>, vector<1000x128xf32> -> vector<1000x128xf32>
    %get3A_9 = arith.constant 0 : index
    %get3A_10 = arith.constant 0 : index
    %get3A_11 = vector.load %arg5[%get3A_9, %get3A_10] : memref<1x128xf32, #tpu.memory_space<vmem>>, vector<1x128xf32>
    %add3A_12 = vector.broadcast %get3A_11 : vector<1x128xf32> to vector<1000x128xf32>
    %add3A_13 = arith.addf %dot_general3A_8, %add3A_12 : vector<1000x128xf32>
    %logistic3A = arith.negf %add3A_13 : vector<1000x128xf32>
    %logistic3A_14 = math.exp %logistic3A : vector<1000x128xf32>
    %logistic3A_15 = arith.constant 1.000000e+00 : f32
    %logistic3A_16 = vector.broadcast %logistic3A_15 : f32 to vector<1000x128xf32>
    %logistic3A_17 = arith.addf %logistic3A_16, %logistic3A_14 : vector<1000x128xf32>
    %logistic3A_18 = arith.divf %logistic3A_16, %logistic3A_17 : vector<1000x128xf32>
    %mul3A = arith.mulf %add3A_13, %logistic3A_18 : vector<1000x128xf32>
    %get3A_19 = arith.constant 0 : index
    %get3A_20 = arith.constant 0 : index
    %get3A_21 = vector.load %arg1[%get3A_19, %get3A_20] : memref<1000x128xf32, #tpu.memory_space<vmem>>, vector<1000x128xf32>
    %get3A_22 = arith.constant 0 : index
    %get3A_23 = arith.constant 0 : index
    %get3A_24 = vector.load %arg6[%get3A_22, %get3A_23] : memref<128x128xf32, #tpu.memory_space<vmem>>, vector<128x128xf32>
    %dot_general3A_25 = arith.constant dense<0.000000e+00> : vector<1000x128xf32>
    %dot_general3A_26 = tpu.matmul %mul3A, %get3A_24, %dot_general3A_25 {dimension_numbers = #tpu.dot_dimension_numbers<[1], [0], [0], [1], [0, 0, 1, 1], [], []>, transpose_lhs_hint = false} : vector<1000x128xf32>, vector<128x128xf32>, vector<1000x128xf32> -> vector<1000x128xf32>
    %add3A_27 = arith.addf %get3A_21, %dot_general3A_26 : vector<1000x128xf32>
    %get3A_28 = arith.constant 0 : index
    %get3A_29 = arith.constant 0 : index
    %get3A_30 = vector.load %arg7[%get3A_28, %get3A_29] : memref<1x128xf32, #tpu.memory_space<vmem>>, vector<1x128xf32>
    %add3A_31 = vector.broadcast %get3A_30 : vector<1x128xf32> to vector<1000x128xf32>
    %add3A_32 = arith.addf %add3A_27, %add3A_31 : vector<1000x128xf32>
    %swap3A = arith.constant 0 : index
    %swap3A_33 = arith.constant 0 : index
    %swap3A_34 = vector.load %arg8[%swap3A, %swap3A_33] : memref<1000x128xf32, #tpu.memory_space<vmem>>, vector<1000x128xf32>
    tpu.vector_store %arg8[%swap3A, %swap3A_33], %add3A_32 {strides = array<i32>} : memref<1000x128xf32, #tpu.memory_space<vmem>>, vector<1000x128xf32>,
    return
  }
  func.func @transform_0(%arg0: i32) -> (i32, i32) {
    %c0_i32 = arith.constant 0 : i32
    %c0_i32_0 = arith.constant 0 : i32
    return %arg0, %c0_i32 : i32, i32
  }
  func.func @transform_1(%arg0: i32) -> (i32, i32) {
    %c0_i32 = arith.constant 0 : i32
    %c0_i32_0 = arith.constant 0 : i32
    return %arg0, %c0_i32 : i32, i32
  }
  func.func @transform_2(%arg0: i32) -> (i32, i32) {
    %c0_i32 = arith.constant 0 : i32
    %c0_i32_0 = arith.constant 0 : i32
    return %arg0, %c0_i32 : i32, i32
  }
  func.func @transform_3(%arg0: i32) -> (i32, i32) {
    %c0_i32 = arith.constant 0 : i32
    %c0_i32_0 = arith.constant 0 : i32
    %c0_i32_1 = arith.constant 0 : i32
    return %c0_i32, %c0_i32_0 : i32, i32
  }
  func.func @transform_4(%arg0: i32) -> (i32, i32) {
    %c0_i32 = arith.constant 0 : i32
    %c0_i32_0 = arith.constant 0 : i32
    %c0_i32_1 = arith.constant 0 : i32
    return %c0_i32, %c0_i32_0 : i32, i32
  }
  func.func @transform_5(%arg0: i32) -> (i32, i32) {
    %c0_i32 = arith.constant 0 : i32
    %c0_i32_0 = arith.constant 0 : i32
    %c0_i32_1 = arith.constant 0 : i32
    return %c0_i32, %c0_i32_0 : i32, i32
  }
  func.func @transform_6(%arg0: i32) -> (i32, i32) {
    %c0_i32 = arith.constant 0 : i32
    %c0_i32_0 = arith.constant 0 : i32
    %c0_i32_1 = arith.constant 0 : i32
    return %c0_i32, %c0_i32_0 : i32, i32
  }
  func.func @transform_7(%arg0: i32) -> (i32, i32) {
    %c0_i32 = arith.constant 0 : i32
    %c0_i32_0 = arith.constant 0 : i32
    return %arg0, %c0_i32 : i32, i32
  }
}

</mosaic_0001>

<sc_bundles>
// kernel: kernel.6.cloned.1.call-start
scs
__scs_entry_jumppad:
0x0: {  	(pc) =	sbr.rel $0x88, $3  }
0x1: {  	(tag) =	ssettag $0x0;
	lr =	simm.s32 $0x1  }
0x2: {  	[smem:$0x3F96] =	sst lr;
	_ =	strace $0xD0000000  }
0x3: {  	_ = 	snop  }
0x4: {  	_ = 	snop  }
0x5: {  	_ = 	snop  }
0x6: {  	_ = 	snop  }
0x7: {  	_ = 	snop  }
__scs_overlays_trampoline_lowered:
0x8: {  	[smem:$0x3FA5] =	sst s0  }
0x9: {  	[smem:$0x3FA6] =	sst s1  }
0xa: {  	[smem:$0x3FA7] =	sst s2  }
0xb: {  	[smem:$0x3FA8] =	sst s3  }
0xc: {  	[smem:$0x3FA9] =	sst s4  }
0xd: {  	[smem:$0x3FAA] =	sst s5  }
0xe: {  	[smem:$0x3FAB] =	sst s6  }
0xf: {  	[smem:$0x3FAC] =	sst s7  }
0x10: {  	[smem:$0x3FAD] =	sst s8  }
0x11: {  	[smem:$0x3FAE] =	sst s9;
	s0 =	simm.s32 @!p0 $0x0  }
0x12: {  	s1 =	sld [smem:$0x3F94];
	s0 =	simm.s32 @p0 $0x1  }
0x13: {  	[smem:$0x3FAF] =	sst s0;
	s0 =	simm.s32 @!p1 $0x0  }
0x14: {  	s2 =	sld [smem:$0x3F93];
	s0 =	simm.s32 @p1 $0x1  }
0x15: {  	[smem:$0x3FB0] =	sst s0;
	s0 =	simm.s32 @!p2 $0x0  }
0x16: {  	s3 =	sld [smem:$0x3FDB];
	s0 =	simm.s32 @p2 $0x1  }
0x17: {  	s4 =	simm.s32 $0x1BF5;
	[smem:$0x3FB2] =	sst s0  }
0x18: {  	s0 =	sld [smem:$0x3F95];
	_ =	swait.ge [sflag:s4], $0x0  }
0x19: {  	s7 =	sld [smem:$0x3F96]  }
0x1a: {  	s8 =	sadd.s32 $0xFFFFE003, lr  }
0x1b: {  	s9 =	sadd.s32 $0xFFFFFEF7, lr;
	s5 =	simm.s32 $0xFFFFFFFF;
	p2 =	slt.u32 s8, $0xFFFFF086  }
0x1c: {  	p1 =	slt.u32 s9, $0xF7A;
	s5 =	simm.s32 @!p2 $0x0  }
0x1d: {  	s5 =	simm.s32 @p1 $0x1;
	p0 =	seq.s32 s7, s2  }
0x1e: {  	s7 =	smul.u32 @!p0 $0xF7A, s2;
	p2 =	seq.s32 @!p0 s5, $0x0  }
0x1f: {  	s9 =	smul.u32 $0xF7A, s1;
	s8 =	simm.s32 @!p0 $0x1BF5;
	p2 =	por !p2, p0  }
0x20: {  	[sflag:s8] =	ssyncset.s32 @!p0 $0xFFFFF086;
	s6 =	sadd.s32 @!p0 s3, s7;
	s7 =	simm.s32 @!p0 $0x108  }
0x21: {  	s3 =	sadd.s32 s3, s9;
	s6 =	sadd.s32 @!p0 $0x88, s6;
	s7 =	simm.s32 @p2 $0x1082  }
0x22: {  	[simem:s7], [sflag:s8] =	dma.local @!p0 [hbm:s6], $0xF7A  }
0x23: {  	s9 =	sor.u32 $0xD0000000, s2;
	s6 =	simm.s32 $0x108;
	_ =	swait.ge @!p0 [sflag:s8], $0x0  }
0x24: {  	s3 =	sadd.s32 $0x88, s3;
	s6 =	simm.s32 @!p1 $0x1082;
	[sflag:s4] =	ssyncset.s32 $0xFFFFF086  }
0x25: {  	[simem:s6], [sflag:s4] =	dma.local [hbm:s3], $0xF7A  }
0x26: {  	[smem:$0x3F96] =	sst s1;
	(tag) =	ssettag s2;
	_ =	strace s9  }
0x27: {  	s1 =	sld [smem:$0x3FA6]  }
0x28: {  	s2 =	sld [smem:$0x3FA7]  }
0x29: {  	s4 =	sld [smem:$0x3FA9]  }
0x2a: {  	p0 =	seq.s32 s5, $0x0;
	s5 =	sld [smem:$0x3FAA]  }
0x2b: {  	s6 =	sld [smem:$0x3FAB]  }
0x2c: {  	s7 =	sld [smem:$0x3FAC]  }
0x2d: {  	s3 =	simm.s32 $0x108;
	s8 =	sld [smem:$0x3FAD]  }
0x2e: {  	s3 =	simm.s32 @!p0 $0x1082;
	s9 =	sld [smem:$0x3FAE]  }
0x2f: {  	lr =	sadd.s32 s0, s3;
	s0 =	sld [smem:$0x3FA5]  }
0x30: {  	s3 =	sld [smem:$0x3FA8]  }
0x31: {  	[smem:$0x3FB1] =	sst s10  }
0x32: {  	s10 =	sld [smem:$0x3FAF];
	_ =	sdelay $0x3  }
0x33: {  	p0 =	seq.s32 s10, $0x1;
	s10 =	sld [smem:$0x3FB1];
	_ =	sdelay $0x3  }
0x34: {  	[smem:$0x3FB1] =	sst s10  }
0x35: {  	s10 =	sld [smem:$0x3FB0];
	_ =	sdelay $0x3  }
0x36: {  	p1 =	seq.s32 s10, $0x1;
	s10 =	sld [smem:$0x3FB1];
	_ =	sdelay $0x3  }
0x37: {  	[smem:$0x3FB1] =	sst s10  }
0x38: {  	s10 =	sld [smem:$0x3FB2]  }
0x39: {  	_ = 	snop;
	(pc) =	sbr.ind lr, $3  }
0x3a: {  	_ = 	snop  }
0x3b: {  	_ = 	snop  }
0x3c: {  	p2 =	seq.s32 s10, $0x1;
	s10 =	sld [smem:$0x3FB1]  }
0x3d: {  	_ =	shalt  }
0x3e: {  	_ =	shalt  }
0x3f: {  	_ =	shalt  }
0x40: {  	_ =	shalt  }
0x41: {  	_ =	shalt  }
0x42: {  	_ =	shalt  }
0x43: {  	_ =	shalt  }
0x44: {  	_ =	shalt  }
0x45: {  	_ =	shalt  }
0x46: {  	_ =	shalt  }
0x47: {  	_ =	shalt  }
0x48: {  	_ =	shalt  }
0x49: {  	_ =	shalt  }
0x4a: {  	_ =	shalt  }
0x4b: {  	_ =	shalt  }
0x4c: {  	_ =	shalt  }
0x4d: {  	_ =	shalt  }
0x4e: {  	_ =	shalt  }
0x4f: {  	_ =	shalt  }
0x50: {  	_ =	shalt  }
0x51: {  	_ =	shalt  }
0x52: {  	_ =	shalt  }
0x53: {  	_ =	shalt  }
0x54: {  	_ =	shalt  }
0x55: {  	_ =	shalt  }
0x56: {  	_ =	shalt  }
0x57: {  	_ =	shalt  }
0x58: {  	_ =	shalt  }
0x59: {  	_ =	shalt  }
0x5a: {  	_ =	shalt  }
0x5b: {  	_ =	shalt  }
0x5c: {  	_ =	shalt  }
0x5d: {  	_ =	shalt  }
0x5e: {  	_ =	shalt  }
0x5f: {  	_ =	shalt  }
0x60: {  	_ =	shalt  }
0x61: {  	_ =	shalt  }
0x62: {  	_ =	shalt  }
0x63: {  	_ =	shalt  }
0x64: {  	_ =	shalt  }
0x65: {  	_ =	shalt  }
0x66: {  	_ =	shalt  }
0x67: {  	_ =	shalt  }
0x68: {  	_ =	shalt  }
0x69: {  	_ =	shalt  }
0x6a: {  	_ =	shalt  }
0x6b: {  	_ =	shalt  }
0x6c: {  	_ =	shalt  }
0x6d: {  	_ =	shalt  }
0x6e: {  	_ =	shalt  }
0x6f: {  	_ =	shalt  }
0x70: {  	_ =	shalt  }
0x71: {  	_ =	shalt  }
0x72: {  	_ =	shalt  }
0x73: {  	_ =	shalt  }
0x74: {  	_ =	shalt  }
0x75: {  	_ =	shalt  }
0x76: {  	_ =	shalt  }
0x77: {  	_ =	shalt  }
0x78: {  	_ =	shalt  }
0x79: {  	_ =	shalt  }
0x7a: {  	_ =	shalt  }
0x7b: {  	_ =	shalt  }
0x7c: {  	_ =	shalt  }
0x7d: {  	_ =	shalt  }
0x7e: {  	_ =	shalt  }
0x7f: {  	_ =	shalt  }
0x80: {  	_ =	shalt  }
0x81: {  	_ =	shalt  }
0x82: {  	_ =	shalt  }
0x83: {  	_ =	shalt  }
0x84: {  	_ =	shalt  }
0x85: {  	_ =	shalt  }
0x86: {  	_ =	shalt  }
0x87: {  	_ =	shalt  }
.Lfunc_end0:
.L_simem_size_0:
called_computation_lowered:
.L_overlay_start_0:
0x88: {  	s2 =	sld [smem:$0x3FD9]  }
0x89: {  	s3 =	sld [smem:$0x3FFE];
	_ =	sdelay $0x1  }
0x8a: {  	s1 =	srdreg.scid  }
0x8b: {  	s0 =	sand.u32 $0x1, s1  }
0x8c: {  	s17 =	sshll.u32 s0, $0xA;
	s2 =	sadd.s32 s3, s2  }
0x8d: {  	s2 =	sadd.s32 s2, s17  }
0x8e: {  	[smem:$0x3FBD] =	sst s2  }
0x8f: {  	_ = 	snop  }
0x90: {  	s2 =	sld [smem:$0x3FD0];
	(tm) =	ssettm $0x1  }
0x91: {  	s18 =	sld [smem:$0x3FFB];
	_ =	sdelay $0x3  }
0x92: {  	_ =	strace s18  }
0x93: {  	s3 =	sld [smem:$0x3FFC];
	_ =	sdelay $0x3  }
0x94: {  	_ =	strace s3  }
0x95: {  	s3 =	sld [smem:$0x3FFD];
	_ =	sdelay $0x3  }
0x96: {  	_ =	strace s3  }
0x97: {  	_ =	strace $0x8FFFFFFF  }
0x98: {  	s19 =	sld [smem:$0x3FDB];
	_ =	sdelay $0x1  }
0x99: {  	s4 =	simm.s32 $_scs_section_size  }
0x9a: {  	s5 =	simm.s32 $_size__tile_overlayer_lowered;
	s6 =	simm.s32 $_tile_overlayer_lowered  }
0x9b: {  	s22 =	simm.s32 $0x1BFF;
	s21 =	sshll.u32 s6, $0x1;
	s3 =	sadd.s32 s4, s19  }
0x9c: {  	s7 =	simm.s32 $0x0;
	s20 =	sshll.u32 s5, $0x1;
	s5 =	sadd.s32 s21, s3  }
0x9d: {  	[timem:s7], [sflag:s22] =	dma.local [hbm:s5], s20  }
0x9e: {  	_ =	swait.ge [sflag:s22], s20  }
0x9f: {  	s4 =	ssub.s32 $0x0, s20;
	[sflag:s22] =	ssyncset.done $0x0  }
0xa0: {  	[sflag:s22] =	ssyncadd.s32 s4;
	_ =	sdelay $0x1  }
0xa1: {  	s23 =	simm.s32 $0x1B8B  }
0xa2: {  	_ =	swait.ge [sflag:s23], $0x1  }
0xa3: {  	[sflag:s23] =	ssyncset.done $0x0  }
0xa4: {  	s25 =	simm.s32 $0x1B8E;
	s24 =	sld [smem:$0x3FFE];
	[sflag:s23] =	ssyncadd.s32 $0xFFFFFFFF  }
0xa5: {  	s26 =	simm.s32 $execute0_lowered;
	[smem:$0x3FD2] =	sst s25  }
0xa6: {  	s5 =	sshll.u32 s26, $0x1;
	_ =	strace $0x80000046;
	[dreg:$0x1] =	wrdreg $0xFFFFFFFF  }
0xa7: {  	s28 =	simm.s32 $_size_execute0_lowered;
	s3 =	sadd.s32 s3, s5;
	[dreg:$0x0] =	wrdreg $0x0  }
0xa8: {  	s5 =	sshll.u32 s28, $0x1;
	[dreg:$0x2] =	wrdreg s3  }
0xa9: {  	[dreg:$0x3] =	wrdreg s5  }
0xaa: {  	[dreg:$0x4] =	wrdreg $0xC0  }
0xab: {  	_ =	task [dreg:s7], $0x5FFFF  }
0xac: {  	[dreg:$0x1] =	wrdreg $0xFFFFFFFF  }
0xad: {  	[dreg:$0x0] =	wrdreg $0x60  }
0xae: {  	[dreg:$0x2] =	wrdreg s24  }
0xaf: {  	[dreg:$0x3] =	wrdreg s2  }
0xb0: {  	[dreg:$0x4] =	wrdreg $0x9  }
0xb1: {  	_ =	task.clear_ibuf [dreg:s7], $0x5FFFF;
	_ =	strace $0x90000046  }
0xb2: {  	s29 =	simm.s32 $0x9;
	_ =	strace $0x80000048  }
0xb3: {  	_ =	swait.ge [sflag:s29], $0x1  }
0xb4: {  	[sflag:s29] =	ssyncadd.s32 $0xFFFFFFFF  }
0xb5: {  	_ =	strace $0x90000048  }
0xb6: {  	_ =	sfence  }
0xb7: {  	s30 =	sld [smem:$0x0];
	_ =	sdelay $0x2  }
0xb8: {  	s31 =	sshll.u32 s1, $0xD;
	s1 =	sshrl.u32 s1, $0x2  }
0xb9: {  	s3 =	sand.u32 $0x4000, s31;
	s1 =	sadd.s32 s1, s30  }
0xba: {  	s0 =	sor.u32 s3, s0;
	s1 =	sshll.u32 s1, $0x11  }
0xbb: {  	s0 =	sor.u32 s1, s0  }
0xbc: {  	s0 =	sadd.s32 $0x8F2B, s0  }
0xbd: {  	[sflag:s0] =	ssyncadd.remote.s32 $0x1  }
0xbe: {  	_ =	sfence.sel $0xFFFF  }
0xbf: {  	[dreg:$0x0] =	wrdreg $0xFFFFFFFF;
	(pc) =	sbr.abs _section_cstart, $3  }
0xc0: {  	[dreg:$0x1] =	wrdreg $0xFFFFFFFF  }
0xc1: {  	_ =	task.clear_ibuf [dreg:s7], $0x2FFFF;
	_ =	strace $0x9FFFFFFF  }
0xc2: {  	(tm) =	ssettm $0x7FFFFFFF  }
0xc3: {  	_ =	shalt  }
tec
execute0_lowered:
.L_overlay_start_1:
0x0: {  	(tag) =	ssettag $0x1  }
0x1: {  	s6 =	rddreg [dreg:$0x0]  }
0x2: {  	s1 =	rddreg [dreg:$0x1]  }
0x3: {  	s0 =	rddreg [dreg:$0x2]  }
0x4: {  	s3 =	simm.s32 $0x0;
	s4 =	srdreg.scid;
	s2 =	stileid.u32  }
0x5: {  	s11 =	simm.s32 $0x7D80;
	s12 =	simm.s32 $0x8580;
	s13 =	simm.s32 $0x0  }
0x6: {  	[smem:$0x7FF] =	sst s3;
	s7 =	sand.u32 $0x1, s4;
	s4 =	sadd.s32 $0xBC00, s6  }
0x7: {  	s9 =	sshll.u32 s2, $0x1;
	s5 =	sadd.s32 $0x1E00, s6;
	s8 =	ssub.s32 $0x2, s7  }
0x8: {  	s6 =	sadd.s32 $0xCC00, s6;
	_ =	strace $0x80000047;
	s10 =	sshrl.u32 s8, $0x1  }
0x9: {  	s7 =	sor.u32 s7, s9;
	s9 =	simm.s32 $0x1;
	s8 =	ssub.s32 s8, s10  }
0xa: {  	s7 =	smul.u32 $0x2710, s7;
	s10 =	simm.s32 $0x7580;
	s8 =	smax.u32 s8, $0x1  }
.LBB2_1:
0xb: {  	[tilespmem:s3], [sflag:$0x1] =	stream.linear.gather [hbm4b:s4+s3], $0x7580, $0x38;
	[tilespmem:$0x8D80] =	vst v63  }
0xc: {  	_ =	swait.ge [sflag:s9], $0x7580  }
0xd: {  	[sflag:s9] =	ssyncset.done $0x0  }
0xe: {  	s14 =	simm.s32 $0x0;
	[sflag:s9] =	ssyncadd.s32 $0xFFFF8A80  }
.LBB2_2:
0xf: {  	s15 =	smul.u32 $0x7D0, s14;
	_ =	sdelay $0x1  }
0x10: {  	s15 =	sadd.s32 s7, s15  }
0x11: {  	s15 =	sshrl.u32 s15, $0x3  }
0x12: {  	s17 =	simm.s32 $0x0;
	s16 =	sadd.s32 s5, s15  }
0x13: {  	[tilespmem:s10], [sflag:$0x1] =	stream.linear.gather [hbm4b:s16+s17], $0x7D0, $0x38;
	[tilespmem:$0x8D80] =	vst v63  }
0x14: {  	_ =	swait.ge [sflag:s9], $0x7D0  }
0x15: {  	[sflag:s9] =	ssyncset.done $0x0  }
0x16: {  	s31 =	sadd.s32 s1, s15;
	[sflag:s9] =	ssyncadd.s32 $0xFFFFF830  }
0x17: {  	[tilespmem:s11], [sflag:$0x1] =	stream.linear.gather [hbm4b:s31+s17], $0x7D0, $0x38;
	[tilespmem:$0x8D80] =	vst v63  }
0x18: {  	_ =	swait.ge [sflag:s9], $0x7D0  }
0x19: {  	[sflag:s9] =	ssyncset.done $0x0  }
0x1a: {  	s16 =	simm.s32 $0x0;
	[sflag:s9] =	ssyncadd.s32 $0xFFFFF830  }
0x1b: {  	v0 =	vld [tilespmem:s16+$0x7D80]  }
0x1c: {  	v1 =	vld [tilespmem:s16+$0x7580];
	_ =	sdelay $0x3  }
0x1d: {  	v2 =	vmul.u32 $0x3, v0  }
0x1e: {  	v1 =	vmul.u32 $0x3, v1;
	_ =	sdelay $0x1  }
0x1f: {  	v3 =	vadd.s32 $0x1, v1  }
0x20: {  	v4 =	vadd.s32 $0x1, v2  }
0x21: {  	v5 =	vadd.s32 $0x2, v1  }
0x22: {  	v6 =	vadd.s32 $0x2, v2;
	v0 =	vld.idx.msk [tilespmem:v2+s3+$0x0], $0xffff  }
0x23: {  	v1 =	vld.idx.msk [tilespmem:v1+s3+$0x0], $0xffff  }
0x24: {  	v2 =	vld.idx.msk [tilespmem:v3+s3+$0x0], $0xffff  }
0x25: {  	v4 =	vld.idx.msk [tilespmem:v4+s3+$0x0], $0xffff  }
0x26: {  	v3 =	vld.idx.msk [tilespmem:v5+s3+$0x0], $0xffff  }
0x27: {  	s17 =	simm.s32 $0x10;
	v7 =	vld.idx.msk [tilespmem:v6+s3+$0x0], $0xffff  }
0x28: {  	v5 =	vld [tilespmem:s17+$0x7D80]  }
0x29: {  	s18 =	simm.s32 $0x80;
	v6 =	vld [tilespmem:s17+$0x7580]  }
.LBB2_3:
0x2a: {  	p0 =	sne.s32 s18, $0x1F00;
	v0 =	vsub.f32 v1, v0;
	v1 =	vsub.f32 v2, v4;
	_ =	sdelay $0x1  }
0x2b: {  	v2 =	vsub.f32 v3, v7;
	v0 =	vmul.f32 v0, v0;
	v1 =	vmul.f32 v1, v1  }
0x2c: {  	v3 =	vmul.u32 $0x3, v5  }
0x2d: {  	v4 =	vmul.u32 $0x3, v6;
	v0 =	vadd.f32 v1, v0;
	v1 =	vmul.f32 v2, v2;
	_ =	sdelay $0x1  }
0x2e: {  	v2 =	vadd.s32 $0x1, v4;
	v0 =	vadd.f32 v1, v0  }
0x2f: {  	v5 =	vadd.s32 $0x1, v3  }
0x30: {  	v6 =	vadd.s32 $0x2, v4;
	[tilespmem:s16+$0x8580] =	vst v0;
	s16 =	smov.u32 s17  }
0x31: {  	v7 =	vadd.s32 $0x2, v3;
	v0 =	vld.idx.msk [tilespmem:v3+s3+$0x0], $0xffff  }
0x32: {  	v1 =	vld.idx.msk [tilespmem:v4+s3+$0x0], $0xffff  }
0x33: {  	v2 =	vld.idx.msk [tilespmem:v2+s3+$0x0], $0xffff  }
0x34: {  	v4 =	vld.idx.msk [tilespmem:v5+s3+$0x0], $0xffff  }
.Ltmp0:
0x35: {  	v3 =	vld.idx.msk [tilespmem:v6+s3+$0x0], $0xffff;
	(pc) =	sbr.rel @p0 .LBB2_3-.Ltmp0, $4  }
0x36: {  	v7 =	vld.idx.msk [tilespmem:v7+s3+$0x0], $0xffff  }
0x37: {  	s17 =	sshra.s32 s18, $0x2  }
0x38: {  	v5 =	vld [tilespmem:s17+$0x7D80]  }
0x39: {  	s18 =	sadd.s32 $0x40, s18;
	v6 =	vld [tilespmem:s17+$0x7580]  }
0x3a: {  	v0 =	vsub.f32 v1, v0;
	v54 =	vsub.f32 v2, v4;
	_ =	sdelay $0x1  }
0x3b: {  	v55 =	vsub.f32 v3, v7;
	v0 =	vmul.f32 v0, v0;
	v1 =	vmul.f32 v54, v54  }
0x3c: {  	v56 =	vmul.u32 $0x3, v5  }
0x3d: {  	v58 =	vmul.f32 v55, v55;
	v57 =	vmul.u32 $0x3, v6;
	v0 =	vadd.f32 v1, v0;
	_ =	sdelay $0x1  }
0x3e: {  	v60 =	vadd.s32 $0x1, v56;
	v0 =	vadd.f32 v58, v0  }
0x3f: {  	v59 =	vadd.s32 $0x1, v57  }
0x40: {  	v3 =	vadd.s32 $0x2, v56;
	[tilespmem:s16+$0x8580] =	vst v0  }
0x41: {  	v61 =	vadd.s32 $0x2, v57;
	v0 =	vld.idx.msk [tilespmem:v56+s3+$0x0], $0xffff  }
0x42: {  	v4 =	vld.idx.msk [tilespmem:v57+s3+$0x0], $0xffff  }
0x43: {  	v1 =	vld.idx.msk [tilespmem:v60+s3+$0x0], $0xffff  }
0x44: {  	v2 =	vld.idx.msk [tilespmem:v59+s3+$0x0], $0xffff  }
0x45: {  	v3 =	vld.idx.msk [tilespmem:v3+s3+$0x0], $0xffff  }
0x46: {  	v5 =	vld.idx.msk [tilespmem:v61+s3+$0x0], $0xffff;
	_ =	sdelay $0x2  }
0x47: {  	v0 =	vsub.f32 v4, v0;
	v1 =	vsub.f32 v2, v1;
	_ =	sdelay $0x1  }
0x48: {  	v62 =	vsub.f32 v5, v3;
	v0 =	vmul.f32 v0, v0;
	v1 =	vmul.f32 v1, v1;
	_ =	sdelay $0x1  }
0x49: {  	v63 =	vmul.f32 v62, v62;
	v0 =	vadd.f32 v1, v0;
	_ =	sdelay $0x1  }
0x4a: {  	s14 =	sadd.s32 $0x1, s14;
	v0 =	vadd.f32 v63, v0  }
0x4b: {  	p0 =	sne.s32 s14, $0x5  }
.Ltmp1:
0x4c: {  	s15 =	sadd.s32 s6, s15;
	[tilespmem:s17+$0x8580] =	vst v0;
	(pc) =	sbr.rel @p0 .LBB2_2-.Ltmp1, $4  }
0x4d: {  	[hbm4b:s15+s3] =	stream.linear.scatter [tilespmem:s12], [sflag:$0x1], $0x7D0, $0x38;
	[tilespmem:$0x8D80] =	vst v63  }
0x4e: {  	_ =	swait.ge [sflag:s9], $0x7D0  }
0x4f: {  	[sflag:s9] =	ssyncset.done $0x0  }
0x50: {  	[sflag:s9] =	ssyncadd.s32 $0xFFFFF830  }
0x51: {  	s13 =	sadd.s32 $0x1, s13  }
0x52: {  	p0 =	sne.s32 s13, s8  }
.Ltmp2:
0x53: {  	_ = 	snop;
	(pc) =	sbr.rel @p0 .LBB2_1-.Ltmp2, $1  }
0x54: {  	_ =	sdelay $0x3  }
0x55: {  	_ =	sfence.sel $0x180000  }
0x56: {  	[bflag:$0x0] =	sbarrier.arrive $0xFFFF  }
0x57: {  	p0 =	sne.s32 s2, $0x0;
	_ =	strace $0x90000047  }
0x58: {  	s0 =	sadd.s32 @!p0 $0x100000, s0;
	[bflag:$0x2] =	sbarrier.arrive $0xFFFF  }
0x59: {  	[sflag:s0] =	ssyncadd.tile.s32 @!p0 $0x1;
	_ =	shalt  }
.Lfunc_end2:
_tile_overlayer_lowered:
.L_overlay_start_2:
0x5a: {  	(tag) =	ssettag $0x2  }
0x5b: {  	s0 =	rddreg [dreg:$0x0];
	s2 =	stileid.u32  }
0x5c: {  	s1 =	rddreg [dreg:$0x1];
	p0 =	sne.s32 s2, $0x0  }
0x5d: {  	s3 =	rddreg [dreg:$0x2];
	[bflag:$0x3] =	sbarrier.arrive $0xFFFF;
	s2 =	simm.s32 @!p0 $0x1C01  }
0x5e: {  	[timem:s3], [sflag:s2] =	dma.local @!p0 [hbm:s0], s1  }
0x5f: {  	s0 =	simm.s32 @!p0 $0x1  }
0x60: {  	_ =	swait.ge @!p0 [sflag:s0], s1  }
0x61: {  	s1 =	ssub.s32 @!p0 $0x0, s1;
	[sflag:s0] =	ssyncset.done @!p0 $0x0  }
0x62: {  	[sflag:s0] =	ssyncadd.s32 @!p0 s1  }
0x63: {  	[bflag:$0x3] =	sbarrier.arrive $0xFFFF  }
0x64: {  	_ =	shalt  }

// kernel: kernel.9.cloned.1.call-start
scs
__scs_entry_jumppad:
0x0: {  	(pc) =	sbr.rel $0x88, $3  }
0x1: {  	(tag) =	ssettag $0x0;
	lr =	simm.s32 $0x1  }
0x2: {  	[smem:$0x3F96] =	sst lr;
	_ =	strace $0xD0000000  }
0x3: {  	_ = 	snop  }
0x4: {  	_ = 	snop  }
0x5: {  	_ = 	snop  }
0x6: {  	_ = 	snop  }
0x7: {  	_ = 	snop  }
__scs_overlays_trampoline_lowered:
0x8: {  	[smem:$0x3FA5] =	sst s0  }
0x9: {  	[smem:$0x3FA6] =	sst s1  }
0xa: {  	[smem:$0x3FA7] =	sst s2  }
0xb: {  	[smem:$0x3FA8] =	sst s3  }
0xc: {  	[smem:$0x3FA9] =	sst s4  }
0xd: {  	[smem:$0x3FAA] =	sst s5  }
0xe: {  	[smem:$0x3FAB] =	sst s6  }
0xf: {  	[smem:$0x3FAC] =	sst s7  }
0x10: {  	[smem:$0x3FAD] =	sst s8  }
0x11: {  	[smem:$0x3FAE] =	sst s9;
	s0 =	simm.s32 @!p0 $0x0  }
0x12: {  	s1 =	sld [smem:$0x3F94];
	s0 =	simm.s32 @p0 $0x1  }
0x13: {  	[smem:$0x3FAF] =	sst s0;
	s0 =	simm.s32 @!p1 $0x0  }
0x14: {  	s2 =	sld [smem:$0x3F93];
	s0 =	simm.s32 @p1 $0x1  }
0x15: {  	[smem:$0x3FB0] =	sst s0;
	s0 =	simm.s32 @!p2 $0x0  }
0x16: {  	s3 =	sld [smem:$0x3FDB];
	s0 =	simm.s32 @p2 $0x1  }
0x17: {  	s4 =	simm.s32 $0x1BF5;
	[smem:$0x3FB2] =	sst s0  }
0x18: {  	s0 =	sld [smem:$0x3F95];
	_ =	swait.ge [sflag:s4], $0x0  }
0x19: {  	s7 =	sld [smem:$0x3F96]  }
0x1a: {  	s8 =	sadd.s32 $0xFFFFE003, lr  }
0x1b: {  	s9 =	sadd.s32 $0xFFFFFEF7, lr;
	s5 =	simm.s32 $0xFFFFFFFF;
	p2 =	slt.u32 s8, $0xFFFFF086  }
0x1c: {  	p1 =	slt.u32 s9, $0xF7A;
	s5 =	simm.s32 @!p2 $0x0  }
0x1d: {  	s5 =	simm.s32 @p1 $0x1;
	p0 =	seq.s32 s7, s2  }
0x1e: {  	s7 =	smul.u32 @!p0 $0xF7A, s2;
	p2 =	seq.s32 @!p0 s5, $0x0  }
0x1f: {  	s9 =	smul.u32 $0xF7A, s1;
	s8 =	simm.s32 @!p0 $0x1BF5;
	p2 =	por !p2, p0  }
0x20: {  	[sflag:s8] =	ssyncset.s32 @!p0 $0xFFFFF086;
	s6 =	sadd.s32 @!p0 s3, s7;
	s7 =	simm.s32 @!p0 $0x108  }
0x21: {  	s3 =	sadd.s32 s3, s9;
	s6 =	sadd.s32 @!p0 $0x88, s6;
	s7 =	simm.s32 @p2 $0x1082  }
0x22: {  	[simem:s7], [sflag:s8] =	dma.local @!p0 [hbm:s6], $0xF7A  }
0x23: {  	s9 =	sor.u32 $0xD0000000, s2;
	s6 =	simm.s32 $0x108;
	_ =	swait.ge @!p0 [sflag:s8], $0x0  }
0x24: {  	s3 =	sadd.s32 $0x88, s3;
	s6 =	simm.s32 @!p1 $0x1082;
	[sflag:s4] =	ssyncset.s32 $0xFFFFF086  }
0x25: {  	[simem:s6], [sflag:s4] =	dma.local [hbm:s3], $0xF7A  }
0x26: {  	[smem:$0x3F96] =	sst s1;
	(tag) =	ssettag s2;
	_ =	strace s9  }
0x27: {  	s1 =	sld [smem:$0x3FA6]  }
0x28: {  	s2 =	sld [smem:$0x3FA7]  }
0x29: {  	s4 =	sld [smem:$0x3FA9]  }
0x2a: {  	p0 =	seq.s32 s5, $0x0;
	s5 =	sld [smem:$0x3FAA]  }
0x2b: {  	s6 =	sld [smem:$0x3FAB]  }
0x2c: {  	s7 =	sld [smem:$0x3FAC]  }
0x2d: {  	s3 =	simm.s32 $0x108;
	s8 =	sld [smem:$0x3FAD]  }
0x2e: {  	s3 =	simm.s32 @!p0 $0x1082;
	s9 =	sld [smem:$0x3FAE]  }
0x2f: {  	lr =	sadd.s32 s0, s3;
	s0 =	sld [smem:$0x3FA5]  }
0x30: {  	s3 =	sld [smem:$0x3FA8]  }
0x31: {  	[smem:$0x3FB1] =	sst s10  }
0x32: {  	s10 =	sld [smem:$0x3FAF];
	_ =	sdelay $0x3  }
0x33: {  	p0 =	seq.s32 s10, $0x1;
	s10 =	sld [smem:$0x3FB1];
	_ =	sdelay $0x3  }
0x34: {  	[smem:$0x3FB1] =	sst s10  }
0x35: {  	s10 =	sld [smem:$0x3FB0];
	_ =	sdelay $0x3  }
0x36: {  	p1 =	seq.s32 s10, $0x1;
	s10 =	sld [smem:$0x3FB1];
	_ =	sdelay $0x3  }
0x37: {  	[smem:$0x3FB1] =	sst s10  }
0x38: {  	s10 =	sld [smem:$0x3FB2]  }
0x39: {  	_ = 	snop;
	(pc) =	sbr.ind lr, $3  }
0x3a: {  	_ = 	snop  }
0x3b: {  	_ = 	snop  }
0x3c: {  	p2 =	seq.s32 s10, $0x1;
	s10 =	sld [smem:$0x3FB1]  }
0x3d: {  	_ =	shalt  }
0x3e: {  	_ =	shalt  }
0x3f: {  	_ =	shalt  }
0x40: {  	_ =	shalt  }
0x41: {  	_ =	shalt  }
0x42: {  	_ =	shalt  }
0x43: {  	_ =	shalt  }
0x44: {  	_ =	shalt  }
0x45: {  	_ =	shalt  }
0x46: {  	_ =	shalt  }
0x47: {  	_ =	shalt  }
0x48: {  	_ =	shalt  }
0x49: {  	_ =	shalt  }
0x4a: {  	_ =	shalt  }
0x4b: {  	_ =	shalt  }
0x4c: {  	_ =	shalt  }
0x4d: {  	_ =	shalt  }
0x4e: {  	_ =	shalt  }
0x4f: {  	_ =	shalt  }
0x50: {  	_ =	shalt  }
0x51: {  	_ =	shalt  }
0x52: {  	_ =	shalt  }
0x53: {  	_ =	shalt  }
0x54: {  	_ =	shalt  }
0x55: {  	_ =	shalt  }
0x56: {  	_ =	shalt  }
0x57: {  	_ =	shalt  }
0x58: {  	_ =	shalt  }
0x59: {  	_ =	shalt  }
0x5a: {  	_ =	shalt  }
0x5b: {  	_ =	shalt  }
0x5c: {  	_ =	shalt  }
0x5d: {  	_ =	shalt  }
0x5e: {  	_ =	shalt  }
0x5f: {  	_ =	shalt  }
0x60: {  	_ =	shalt  }
0x61: {  	_ =	shalt  }
0x62: {  	_ =	shalt  }
0x63: {  	_ =	shalt  }
0x64: {  	_ =	shalt  }
0x65: {  	_ =	shalt  }
0x66: {  	_ =	shalt  }
0x67: {  	_ =	shalt  }
0x68: {  	_ =	shalt  }
0x69: {  	_ =	shalt  }
0x6a: {  	_ =	shalt  }
0x6b: {  	_ =	shalt  }
0x6c: {  	_ =	shalt  }
0x6d: {  	_ =	shalt  }
0x6e: {  	_ =	shalt  }
0x6f: {  	_ =	shalt  }
0x70: {  	_ =	shalt  }
0x71: {  	_ =	shalt  }
0x72: {  	_ =	shalt  }
0x73: {  	_ =	shalt  }
0x74: {  	_ =	shalt  }
0x75: {  	_ =	shalt  }
0x76: {  	_ =	shalt  }
0x77: {  	_ =	shalt  }
0x78: {  	_ =	shalt  }
0x79: {  	_ =	shalt  }
0x7a: {  	_ =	shalt  }
0x7b: {  	_ =	shalt  }
0x7c: {  	_ =	shalt  }
0x7d: {  	_ =	shalt  }
0x7e: {  	_ =	shalt  }
0x7f: {  	_ =	shalt  }
0x80: {  	_ =	shalt  }
0x81: {  	_ =	shalt  }
0x82: {  	_ =	shalt  }
0x83: {  	_ =	shalt  }
0x84: {  	_ =	shalt  }
0x85: {  	_ =	shalt  }
0x86: {  	_ =	shalt  }
0x87: {  	_ =	shalt  }
.Lfunc_end0:
.L_simem_size_0:
called_computation.1_lowered:
.L_overlay_start_0:
0x88: {  	s2 =	sld [smem:$0x3FD9]  }
0x89: {  	s3 =	sld [smem:$0x3FFE];
	_ =	sdelay $0x1  }
0x8a: {  	s1 =	srdreg.scid  }
0x8b: {  	s0 =	sand.u32 $0x1, s1  }
0x8c: {  	s17 =	sshll.u32 s0, $0xA;
	s2 =	sadd.s32 s3, s2  }
0x8d: {  	s2 =	sadd.s32 s2, s17  }
0x8e: {  	[smem:$0x3FBD] =	sst s2  }
0x8f: {  	_ = 	snop  }
0x90: {  	s2 =	sld [smem:$0x3FC9]  }
0x91: {  	s18 =	sld [smem:$0x3FD0];
	(tm) =	ssettm $0x1  }
0x92: {  	s4 =	sld [smem:$0x3FFB];
	_ =	sdelay $0x3  }
0x93: {  	_ =	strace s4  }
0x94: {  	s4 =	sld [smem:$0x3FFC];
	_ =	sdelay $0x3  }
0x95: {  	_ =	strace s4  }
0x96: {  	s4 =	sld [smem:$0x3FFD];
	_ =	sdelay $0x3  }
0x97: {  	_ =	strace s4  }
0x98: {  	_ =	strace $0x8FFFFFFF  }
0x99: {  	s19 =	sld [smem:$0x3FDB];
	_ =	sdelay $0x1  }
0x9a: {  	s5 =	simm.s32 $_scs_section_size  }
0x9b: {  	s6 =	simm.s32 $_size__tile_overlayer_lowered;
	s7 =	simm.s32 $_tile_overlayer_lowered  }
0x9c: {  	s22 =	simm.s32 $0x1BFF;
	s21 =	sshll.u32 s7, $0x1;
	s4 =	sadd.s32 s5, s19  }
0x9d: {  	s8 =	simm.s32 $0x0;
	s20 =	sshll.u32 s6, $0x1;
	s6 =	sadd.s32 s21, s4  }
0x9e: {  	[timem:s8], [sflag:s22] =	dma.local [hbm:s6], s20  }
0x9f: {  	_ =	swait.ge [sflag:s22], s20  }
0xa0: {  	s5 =	ssub.s32 $0x0, s20;
	[sflag:s22] =	ssyncset.done $0x0  }
0xa1: {  	[sflag:s22] =	ssyncadd.s32 s5;
	_ =	sdelay $0x1  }
0xa2: {  	s23 =	simm.s32 $0x1B8B  }
0xa3: {  	_ =	swait.ge [sflag:s23], $0x1  }
0xa4: {  	[sflag:s23] =	ssyncset.done $0x0  }
0xa5: {  	s25 =	simm.s32 $0x1B8E;
	s24 =	sld [smem:$0x3FFE];
	[sflag:s23] =	ssyncadd.s32 $0xFFFFFFFF  }
0xa6: {  	s26 =	simm.s32 $execute0_lowered;
	[smem:$0x3FD2] =	sst s25  }
0xa7: {  	s6 =	sshll.u32 s26, $0x1;
	_ =	strace $0x80000049;
	[dreg:$0x1] =	wrdreg $0xFFFFFFFF  }
0xa8: {  	s28 =	simm.s32 $_size_execute0_lowered;
	s4 =	sadd.s32 s4, s6;
	[dreg:$0x0] =	wrdreg $0x0  }
0xa9: {  	s6 =	sshll.u32 s28, $0x1;
	[dreg:$0x2] =	wrdreg s4  }
0xaa: {  	[dreg:$0x3] =	wrdreg s6  }
0xab: {  	[dreg:$0x4] =	wrdreg $0xC0  }
0xac: {  	_ =	task [dreg:s8], $0x5FFFF  }
0xad: {  	[dreg:$0x1] =	wrdreg $0xFFFFFFFF  }
0xae: {  	[dreg:$0x0] =	wrdreg $0x60  }
0xaf: {  	[dreg:$0x2] =	wrdreg s2  }
0xb0: {  	[dreg:$0x3] =	wrdreg s24  }
0xb1: {  	[dreg:$0x4] =	wrdreg s18  }
0xb2: {  	[dreg:$0x5] =	wrdreg $0x7A000  }
0xb3: {  	[dreg:$0x6] =	wrdreg $0x9  }
0xb4: {  	_ =	task.clear_ibuf [dreg:s8], $0x7FFFF;
	_ =	strace $0x90000049  }
0xb5: {  	s29 =	simm.s32 $0x9;
	_ =	strace $0x8000004B  }
0xb6: {  	_ =	swait.ge [sflag:s29], $0x1  }
0xb7: {  	[sflag:s29] =	ssyncadd.s32 $0xFFFFFFFF  }
0xb8: {  	_ =	strace $0x9000004B  }
0xb9: {  	_ =	sfence  }
0xba: {  	s30 =	sld [smem:$0x0];
	_ =	sdelay $0x2  }
0xbb: {  	s31 =	sshll.u32 s1, $0xD;
	s1 =	sshrl.u32 s1, $0x2  }
0xbc: {  	s3 =	sand.u32 $0x4000, s31;
	s1 =	sadd.s32 s1, s30  }
0xbd: {  	s0 =	sor.u32 s3, s0;
	s1 =	sshll.u32 s1, $0x11  }
0xbe: {  	s0 =	sor.u32 s1, s0  }
0xbf: {  	s0 =	sadd.s32 $0x8F2B, s0  }
0xc0: {  	[sflag:s0] =	ssyncadd.remote.s32 $0x1  }
0xc1: {  	_ =	sfence.sel $0xFFFF  }
0xc2: {  	[dreg:$0x0] =	wrdreg $0xFFFFFFFF;
	(pc) =	sbr.abs _section_cstart, $3  }
0xc3: {  	[dreg:$0x1] =	wrdreg $0xFFFFFFFF  }
0xc4: {  	_ =	task.clear_ibuf [dreg:s8], $0x2FFFF;
	_ =	strace $0x9FFFFFFF  }
0xc5: {  	(tm) =	ssettm $0x7FFFFFFF  }
tec
execute0_lowered:
.L_overlay_start_1:
0x0: {  	(tag) =	ssettag $0x1  }
0x1: {  	s0 =	rddreg [dreg:$0x0]  }
0x2: {  	s1 =	rddreg [dreg:$0x1]  }
0x3: {  	s2 =	srdreg.scid;
	s3 =	rddreg [dreg:$0x2]  }
0x4: {  	s11 =	stileid.u32;
	s4 =	rddreg [dreg:$0x3];
	s5 =	simm.s32 $0x0  }
0x5: {  	s28 =	simm.s32 $0x180;
	s29 =	simm.s32 $0x4;
	s30 =	simm.s32 $0x28  }
0x6: {  	s31 =	simm.s32 $0x200;
	s12 =	simm.s32 $0x2;
	s7 =	smul.u32 $0x13C00, s11  }
0x7: {  	s2 =	sand.u32 $0x1, s2;
	[smem:$0x7FF] =	sst s5;
	s9 =	smul.u32 $0x4E200, s11  }
0x8: {  	s13 =	sshll.u32 s11, $0x1;
	s11 =	simm.s32 $0x1;
	s6 =	smul.u32 $0x13C000, s2  }
0x9: {  	_ =	strace $0x8000004A;
	s10 =	ssub.s32 $0x2, s2;
	s2 =	sor.u32 s2, s13  }
0xa: {  	s13 =	simm.s32 $0x5;
	s9 =	sshrl.u32 s9, $0x2;
	s14 =	sshrl.u32 s10, $0x1  }
0xb: {  	s6 =	sadd.s32 s7, s6;
	s7 =	sadd.s32 $0x1E00, s1;
	s19 =	sadd.s32 s9, s4  }
0xc: {  	s10 =	ssub.s32 s10, s14;
	s15 =	sadd.s32 $0x2800, s19;
	[dreg:$0x5] =	wrdreg s19  }
0xd: {  	s9 =	smul.u32 $0x2710, s2;
	s16 =	sadd.s32 $0x5000, s19;
	[dreg:$0x6] =	wrdreg s15  }
0xe: {  	s14 =	simm.s32 $0x50;
	s17 =	sadd.s32 $0x7800, s19;
	[dreg:$0x7] =	wrdreg s16  }
0xf: {  	s8 =	sshrl.u32 s6, $0x3;
	s18 =	sadd.s32 $0xA000, s19;
	[dreg:$0x8] =	wrdreg s17  }
0x10: {  	s6 =	sadd.s32 $0xBC00, s1;
	s20 =	sadd.s32 $0xC800, s19;
	[dreg:$0x9] =	wrdreg s18  }
0x11: {  	s21 =	sadd.s32 $0xF000, s19;
	s22 =	sadd.s32 $0x11800, s19;
	[dreg:$0xa] =	wrdreg s20  }
0x12: {  	s26 =	smax.u32 s10, $0x1;
	s10 =	simm.s32 $0x3E00;
	[dreg:$0xb] =	wrdreg s21  }
0x13: {  	s1 =	sadd.s32 s8, s1;
	s16 =	sadd.s32 $0x28, s9;
	[dreg:$0xc] =	wrdreg s22  }
0x14: {  	s23 =	sshrl.u32 s9, $0x3;
	s20 =	sadd.s32 $0x50, s9;
	s21 =	sadd.s32 $0x78, s9  }
.Ltmp0:
0x15: {  	[dreg:$0x10] =	wrdreg s26;
	s26 =	simm.s32 $0x100;
	(pc) =	sbr.rel .LBB2_1-.Ltmp0, $4  }
0x16: {  	s15 =	simm.s32 $0x0;
	s24 =	sshrl.u32 s16, $0x3;
	s2 =	sadd.s32 s3, s23  }
0x17: {  	s1 =	sadd.s32 $0x4EDC00, s1;
	[dreg:$0xd] =	wrdreg s2;
	s25 =	sadd.s32 s3, s24  }
0x18: {  	[dreg:$0xf] =	wrdreg s1;
	s24 =	simm.s32 $0x5200;
	s2 =	simm.s32 $0x1600  }
0x19: {  	v0 =	vimm.f32 $0.0e+00;
	s1 =	simm.s32 $0x2A00;
	[dreg:$0xe] =	wrdreg s25;
	s25 =	simm.s32 $0x6  }
.LBB2_10:
0x1a: {  	[spmem:s4] =	stream.indirect.scatter.add.f32 [tilespmem:s24], [sflag:$0x6], $0x80, s5, s14, $0xb8;
	[tilespmem:$0x1B280] =	vst v63  }
0x1b: {  	_ =	swait.ge [sflag:s25], $0x2800  }
0x1c: {  	[sflag:s25] =	ssyncset.done $0x0  }
0x1d: {  	[sflag:s25] =	ssyncadd.s32 $0xFFFFD800  }
.LBB2_11:
0x1e: {  	s8 =	stileid.u32;
	[bflag:$0x0] =	sbarrier.arrive $0xFFFF  }
0x1f: {  	s8 =	sshll.u32 s8, $0x6;
	s19 =	rddreg [dreg:$0x5]  }
0x20: {  	s18 =	rddreg [dreg:$0xf];
	s8 =	sor.u32 $0x1C06, s8;
	s17 =	sshrl.u32 s19, $0x3  }
0x21: {  	[hbm:s18], [sflag:s8] =	dma.local [spmem:s17], $0x2710  }
0x22: {  	_ =	swait.ge [sflag:s25], $0x2710  }
0x23: {  	s15 =	sadd.s32 $0x1, s15;
	s23 =	rddreg [dreg:$0x10]  }
0x24: {  	p0 =	sne.s32 s15, s23  }
.Ltmp1:
0x25: {  	_ = 	snop;
	(pc) =	sbr.rel @!p0 .LBB2_12-.Ltmp1, $3  }
0x26: {  	_ =	sdelay $0x1  }
0x27: {  	[sflag:s25] =	ssyncset.done $0x0  }
0x28: {  	[sflag:s25] =	ssyncadd.s32 $0xFFFFD8F0  }
.LBB2_1:
0x29: {  	s17 =	simm.s32 $0x0;
	s18 =	simm.s32 $0x200  }
.LBB2_2:
0x2a: {  	p0 =	sne.s32 s18, $0x9E00;
	[tilespmem:s17+$0x5270] =	vst v0  }
0x2b: {  	[tilespmem:s17+$0x5200] =	vst v0  }
0x2c: {  	[tilespmem:s17+$0x5210] =	vst v0  }
.Ltmp2:
0x2d: {  	[tilespmem:s17+$0x5220] =	vst v0;
	(pc) =	sbr.rel @p0 .LBB2_2-.Ltmp2, $4  }
0x2e: {  	[tilespmem:s17+$0x5230] =	vst v0  }
0x2f: {  	[tilespmem:s17+$0x5240] =	vst v0  }
0x30: {  	[tilespmem:s17+$0x5250] =	vst v0  }
0x31: {  	[tilespmem:s17+$0x5260] =	vst v0;
	s17 =	sshra.s32 s18, $0x2;
	s18 =	sadd.s32 $0x200, s18  }
0x32: {  	[tilespmem:s17+$0x5270] =	vst v0  }
0x33: {  	[tilespmem:s17+$0x5200] =	vst v0  }
0x34: {  	[tilespmem:s17+$0x5210] =	vst v0  }
0x35: {  	[tilespmem:s17+$0x5220] =	vst v0  }
0x36: {  	[tilespmem:s17+$0x5230] =	vst v0  }
0x37: {  	[tilespmem:s17+$0x5240] =	vst v0  }
0x38: {  	[tilespmem:s17+$0x5250] =	vst v0  }
0x39: {  	[tilespmem:s17+$0x5260] =	vst v0  }
0x3a: {  	[spmem:s19] =	stream.linear.scatter [tilespmem:s24], [sflag:$0x6], $0x2800, $0x38;
	[tilespmem:$0x1B280] =	vst v63  }
0x3b: {  	_ =	swait.ge [sflag:s25], $0x2800  }
0x3c: {  	[sflag:s25] =	ssyncset.done $0x0  }
0x3d: {  	s8 =	rddreg [dreg:$0x6];
	[sflag:s25] =	ssyncadd.s32 $0xFFFFD800  }
0x3e: {  	[spmem:s8] =	stream.linear.scatter [tilespmem:s24], [sflag:$0x6], $0x2800, $0x38;
	[tilespmem:$0x1B280] =	vst v63  }
0x3f: {  	_ =	swait.ge [sflag:s25], $0x2800  }
0x40: {  	[sflag:s25] =	ssyncset.done $0x0  }
0x41: {  	s19 =	rddreg [dreg:$0x7];
	[sflag:s25] =	ssyncadd.s32 $0xFFFFD800  }
0x42: {  	[spmem:s19] =	stream.linear.scatter [tilespmem:s24], [sflag:$0x6], $0x2800, $0x38;
	[tilespmem:$0x1B280] =	vst v63  }
0x43: {  	_ =	swait.ge [sflag:s25], $0x2800  }
0x44: {  	[sflag:s25] =	ssyncset.done $0x0  }
0x45: {  	s22 =	rddreg [dreg:$0x8];
	[sflag:s25] =	ssyncadd.s32 $0xFFFFD800  }
0x46: {  	[spmem:s22] =	stream.linear.scatter [tilespmem:s24], [sflag:$0x6], $0x2800, $0x38;
	[tilespmem:$0x1B280] =	vst v63  }
0x47: {  	_ =	swait.ge [sflag:s25], $0x2800  }
0x48: {  	[sflag:s25] =	ssyncset.done $0x0  }
0x49: {  	s23 =	rddreg [dreg:$0x9];
	[sflag:s25] =	ssyncadd.s32 $0xFFFFD800  }
0x4a: {  	[spmem:s23] =	stream.linear.scatter [tilespmem:s24], [sflag:$0x6], $0x2800, $0x38;
	[tilespmem:$0x1B280] =	vst v63  }
0x4b: {  	_ =	swait.ge [sflag:s25], $0x2800  }
0x4c: {  	[sflag:s25] =	ssyncset.done $0x0  }
0x4d: {  	s17 =	rddreg [dreg:$0xa];
	[sflag:s25] =	ssyncadd.s32 $0xFFFFD800  }
0x4e: {  	[spmem:s17] =	stream.linear.scatter [tilespmem:s24], [sflag:$0x6], $0x2800, $0x38;
	[tilespmem:$0x1B280] =	vst v63  }
0x4f: {  	_ =	swait.ge [sflag:s25], $0x2800  }
0x50: {  	[sflag:s25] =	ssyncset.done $0x0  }
0x51: {  	s18 =	rddreg [dreg:$0xb];
	[sflag:s25] =	ssyncadd.s32 $0xFFFFD800  }
0x52: {  	[spmem:s18] =	stream.linear.scatter [tilespmem:s24], [sflag:$0x6], $0x2800, $0x38;
	[tilespmem:$0x1B280] =	vst v63  }
0x53: {  	_ =	swait.ge [sflag:s25], $0x2800  }
0x54: {  	[sflag:s25] =	ssyncset.done $0x0  }
0x55: {  	s19 =	rddreg [dreg:$0xc];
	[sflag:s25] =	ssyncadd.s32 $0xFFFFD800  }
0x56: {  	[spmem:s19] =	stream.linear.scatter [tilespmem:s24], [sflag:$0x6], $0x2080, $0x38;
	[tilespmem:$0x1B280] =	vst v63  }
0x57: {  	_ =	swait.ge [sflag:s25], $0x2080  }
0x58: {  	[sflag:s25] =	ssyncset.done $0x0  }
0x59: {  	[sflag:s25] =	ssyncadd.s32 $0xFFFFDF80  }
0x5a: {  	[bflag:$0x0] =	sbarrier.arrive $0xFFFF  }
0x5b: {  	s18 =	simm.s32 $0x0;
	s22 =	rddreg [dreg:$0xd]  }
0x5c: {  	[tilespmem:s26], [sflag:$0x4] =	stream.linear.gather [hbm4b:s22+s18], $0x28, $0x38;
	[tilespmem:$0x1B280] =	vst v63  }
0x5d: {  	s23 =	rddreg [dreg:$0xe]  }
0x5e: {  	[tilespmem:s28], [sflag:$0x4] =	stream.linear.gather [hbm4b:s23+s18], $0x28, $0x38;
	[tilespmem:$0x1B280] =	vst v63  }
.LBB2_4:
0x5f: {  	_ =	swait.ge [sflag:s29], $0x28  }
0x60: {  	[sflag:s29] =	ssyncset.done $0x0  }
0x61: {  	[sflag:s29] =	ssyncadd.s32 $0xFFFFFFD8  }
0x62: {  	s19 =	smul.u32 $0x50, s18;
	_ =	swait.ge [sflag:s29], $0x28  }
0x63: {  	[sflag:s29] =	ssyncset.done $0x0  }
0x64: {  	s17 =	sand.u32 $0x1, s18;
	s22 =	sadd.s32 s9, s19;
	[sflag:s29] =	ssyncadd.s32 $0xFFFFFFD8  }
0x65: {  	[tilespmem:s31], [sflag:$0x1] =	stream.indirect.gather [hbm4b:s0+s30], $0x80, s26, s30, $0xb8;
	[tilespmem:$0x1B280] =	vst v63  }
0x66: {  	s17 =	ssub.s32 $0x0, s17;
	s23 =	sshrl.u32 s22, $0x3  }
0x67: {  	[tilespmem:s2], [sflag:$0x1] =	stream.indirect.gather [hbm4b:s0+s30], $0x80, s28, s30, $0xb8;
	[tilespmem:$0x1B280] =	vst v63  }
0x68: {  	s17 =	sand.u32 $0x80, s17;
	s22 =	sshll.u32 s22, $0x4;
	s23 =	sadd.s32 s7, s23  }
0x69: {  	[tilespmem:s17], [sflag:$0x5] =	stream.linear.gather [hbm4b:s23+s5], $0x50, $0x38;
	[tilespmem:$0x1B280] =	vst v63  }
0x6a: {  	s22 =	sadd.s32 s6, s22;
	s23 =	sadd.s32 s19, s16  }
0x6b: {  	[tilespmem:s1], [sflag:$0x2] =	stream.linear.gather [hbm4b:s22+s5], $0x1400, $0x38;
	[tilespmem:$0x1B280] =	vst v63  }
0x6c: {  	s22 =	sshll.u32 s23, $0x4  }
0x6d: {  	p0 =	seq.s32 s18, $0x0;
	s22 =	sadd.s32 s6, s22  }
0x6e: {  	[tilespmem:s10], [sflag:$0x2] =	stream.linear.gather [hbm4b:s22+s5], $0x1400, $0x38;
	[tilespmem:$0x1B280] =	vst v63  }
0x6f: {  	s22 =	simm.s32 @!p0 $0x3  }
0x70: {  	_ =	swait.ge @!p0 [sflag:s22], $0x2800  }
0x71: {  	[sflag:s22] =	ssyncset.done @!p0 $0x0  }
0x72: {  	[sflag:s22] =	ssyncadd.s32 @!p0 $0xFFFFD800  }
0x73: {  	_ =	swait.ge [sflag:s11], $0x1400  }
0x74: {  	[sflag:s11] =	ssyncset.done $0x0  }
0x75: {  	[sflag:s11] =	ssyncadd.s32 $0xFFFFEC00  }
0x76: {  	_ =	swait.ge [sflag:s12], $0x1400  }
0x77: {  	[sflag:s12] =	ssyncset.done $0x0  }
0x78: {  	[sflag:s12] =	ssyncadd.s32 $0xFFFFEC00  }
0x79: {  	_ =	swait.ge [sflag:s11], $0x1400  }
0x7a: {  	[sflag:s11] =	ssyncset.done $0x0  }
0x7b: {  	p0 =	seq.s32 s18, $0x7C;
	[sflag:s11] =	ssyncadd.s32 $0xFFFFEC00  }
0x7c: {  	s22 =	sadd.s32 @!p0 s19, s20;
	_ =	swait.ge [sflag:s12], $0x1400  }
0x7d: {  	s23 =	simm.s32 @!p0 $0x0;
	s22 =	sshrl.u32 @!p0 s22, $0x3;
	[sflag:s12] =	ssyncset.done $0x0  }
0x7e: {  	s8 =	simm.s32 @!p0 $0x100;
	s22 =	sadd.s32 @!p0 s3, s22;
	[sflag:s12] =	ssyncadd.s32 $0xFFFFEC00  }
0x7f: {  	[tilespmem:s8], [sflag:$0x4] =	stream.linear.gather @!p0 [hbm4b:s22+s23], $0x28, $0x38;
	[tilespmem:$0x1B280] =	vst v63  }
0x80: {  	s8 =	sadd.s32 @!p0 s19, s21  }
0x81: {  	s8 =	sshrl.u32 @!p0 s8, $0x3  }
0x82: {  	s19 =	simm.s32 @!p0 $0x180;
	s8 =	sadd.s32 @!p0 s3, s8  }
0x83: {  	[tilespmem:s19], [sflag:$0x4] =	stream.linear.gather @!p0 [hbm4b:s8+s23], $0x28, $0x38;
	[tilespmem:$0x1B280] =	vst v63  }
0x84: {  	s19 =	simm.s32 $0x0  }
0x85: {  	v1 =	vld [tilespmem:s19+$0x270]  }
0x86: {  	v2 =	vld [tilespmem:s19+$0x2A70]  }
0x87: {  	v3 =	vld [tilespmem:s19+$0x200]  }
0x88: {  	v4 =	vld [tilespmem:s19+$0x2A00]  }
0x89: {  	v5 =	vld [tilespmem:s19+$0x210]  }
0x8a: {  	v6 =	vld [tilespmem:s19+$0x2A10]  }
0x8b: {  	v7 =	vld [tilespmem:s19+$0x220]  }
0x8c: {  	v8 =	vld [tilespmem:s19+$0x230]  }
0x8d: {  	v1 =	vmul.f32 v2, v1;
	v2 =	vld [tilespmem:s19+$0x2A20]  }
0x8e: {  	v9 =	vld [tilespmem:s19+$0x2A30]  }
0x8f: {  	v10 =	vld [tilespmem:s19+$0x2A40];
	v3 =	vmul.f32 v4, v3  }
0x90: {  	[tilespmem:s19+$0x5270] =	vst v1;
	v1 =	vmul.f32 v6, v5;
	v6 =	vld [tilespmem:s19+$0x240]  }
0x91: {  	v4 =	vld [tilespmem:s19+$0x2A50];
	[tilespmem:s19+$0x5200] =	vst v3  }
0x92: {  	v3 =	vld [tilespmem:s19+$0x250];
	[tilespmem:s19+$0x5210] =	vst v1;
	v1 =	vmul.f32 v2, v7  }
0x93: {  	v5 =	vld [tilespmem:s19+$0x2A60];
	v7 =	vmul.f32 v9, v8  }
0x94: {  	s22 =	simm.s32 $0x80;
	[tilespmem:s19+$0x5220] =	vst v1;
	v1 =	vld [tilespmem:s19+$0x260]  }
0x95: {  	s18 =	sadd.s32 $0x1, s18;
	s23 =	simm.s32 $0x400;
	v6 =	vmul.f32 v10, v6;
	v2 =	vld [tilespmem:s22+$0x270];
	[tilespmem:s19+$0x5230] =	vst v7  }
.LBB2_5:
0x96: {  	p1 =	sne.s32 s23, $0x4E00;
	v7 =	vld [tilespmem:s22+$0x2A70]  }
0x97: {  	v8 =	vld [tilespmem:s22+$0x200];
	[tilespmem:s19+$0x5240] =	vst v6;
	v3 =	vmul.f32 v4, v3  }
0x98: {  	v4 =	vld [tilespmem:s22+$0x2A00]  }
0x99: {  	v6 =	vld [tilespmem:s22+$0x210];
	[tilespmem:s19+$0x5250] =	vst v3;
	v1 =	vmul.f32 v5, v1  }
0x9a: {  	v3 =	vld [tilespmem:s22+$0x2A10]  }
0x9b: {  	v5 =	vld [tilespmem:s22+$0x220];
	v2 =	vmul.f32 v7, v2;
	[tilespmem:s19+$0x5260] =	vst v1;
	s19 =	smov.u32 s22  }
0x9c: {  	v1 =	vld [tilespmem:s19+$0x2A20]  }
0x9d: {  	v4 =	vmul.f32 v4, v8;
	v7 =	vld [tilespmem:s19+$0x230];
	[tilespmem:s19+$0x5270] =	vst v2  }
0x9e: {  	v2 =	vld [tilespmem:s19+$0x2A30]  }
0x9f: {  	[tilespmem:s19+$0x5200] =	vst v4;
	v3 =	vmul.f32 v3, v6;
	v6 =	vld [tilespmem:s19+$0x240]  }
0xa0: {  	v8 =	vld [tilespmem:s19+$0x2A40]  }
.Ltmp3:
0xa1: {  	[tilespmem:s19+$0x5210] =	vst v3;
	v1 =	vmul.f32 v1, v5;
	v3 =	vld [tilespmem:s19+$0x250];
	(pc) =	sbr.rel @p1 .LBB2_5-.Ltmp3, $4  }
0xa2: {  	v4 =	vld [tilespmem:s19+$0x2A50]  }
0xa3: {  	[tilespmem:s19+$0x5220] =	vst v1;
	v7 =	vmul.f32 v2, v7;
	v1 =	vld [tilespmem:s19+$0x260]  }
0xa4: {  	s22 =	sshra.s32 s23, $0x2;
	v5 =	vld [tilespmem:s19+$0x2A60]  }
0xa5: {  	s23 =	sadd.s32 $0x200, s23;
	v2 =	vld [tilespmem:s22+$0x270];
	[tilespmem:s19+$0x5230] =	vst v7;
	v6 =	vmul.f32 v8, v6  }
0xa6: {  	v7 =	vld [tilespmem:s22+$0x2A70]  }
0xa7: {  	v8 =	vld [tilespmem:s22+$0x200];
	[tilespmem:s19+$0x5240] =	vst v6;
	v3 =	vmul.f32 v4, v3  }
0xa8: {  	v4 =	vld [tilespmem:s22+$0x2A00]  }
0xa9: {  	v6 =	vld [tilespmem:s22+$0x210];
	[tilespmem:s19+$0x5250] =	vst v3;
	v1 =	vmul.f32 v5, v1  }
0xaa: {  	v3 =	vld [tilespmem:s22+$0x2A10]  }
0xab: {  	v5 =	vld [tilespmem:s22+$0x220];
	[tilespmem:s19+$0x5260] =	vst v1  }
0xac: {  	v1 =	vmul.f32 v7, v2;
	v2 =	vld [tilespmem:s22+$0x2A20]  }
0xad: {  	v7 =	vld [tilespmem:s22+$0x230]  }
0xae: {  	v4 =	vmul.f32 v4, v8;
	[tilespmem:s22+$0x5270] =	vst v1;
	v1 =	vld [tilespmem:s22+$0x2A30]  }
0xaf: {  	v8 =	vld [tilespmem:s22+$0x2A60]  }
0xb0: {  	[tilespmem:s22+$0x5200] =	vst v4;
	v3 =	vmul.f32 v3, v6;
	v4 =	vld [tilespmem:s22+$0x240]  }
0xb1: {  	v6 =	vld [tilespmem:s22+$0x2A40]  }
0xb2: {  	[tilespmem:s22+$0x5210] =	vst v3;
	v2 =	vmul.f32 v2, v5;
	v3 =	vld [tilespmem:s22+$0x250]  }
0xb3: {  	v5 =	vld [tilespmem:s22+$0x2A50]  }
0xb4: {  	[tilespmem:s22+$0x5220] =	vst v2;
	v2 =	vld [tilespmem:s22+$0x260];
	_ =	sdelay $0x1  }
0xb5: {  	v1 =	vmul.f32 v1, v7  }
0xb6: {  	v4 =	vmul.f32 v6, v4  }
0xb7: {  	[tilespmem:s22+$0x5230] =	vst v1;
	v1 =	vmul.f32 v5, v3  }
0xb8: {  	[tilespmem:s22+$0x5240] =	vst v4;
	v2 =	vmul.f32 v8, v2  }
0xb9: {  	[tilespmem:s22+$0x5250] =	vst v1  }
0xba: {  	s19 =	simm.s32 $0x0;
	[tilespmem:s22+$0x5260] =	vst v2  }
0xbb: {  	v1 =	vld [tilespmem:s19+$0x1670]  }
0xbc: {  	v2 =	vld [tilespmem:s19+$0x3E70]  }
0xbd: {  	v3 =	vld [tilespmem:s19+$0x1600]  }
0xbe: {  	v4 =	vld [tilespmem:s19+$0x3E00]  }
0xbf: {  	v5 =	vld [tilespmem:s19+$0x1610]  }
0xc0: {  	v6 =	vld [tilespmem:s19+$0x3E10]  }
0xc1: {  	v7 =	vld [tilespmem:s19+$0x1620]  }
0xc2: {  	v8 =	vld [tilespmem:s19+$0x1630]  }
0xc3: {  	v1 =	vmul.f32 v2, v1;
	v2 =	vld [tilespmem:s19+$0x3E20]  }
0xc4: {  	v9 =	vld [tilespmem:s19+$0x3E30]  }
0xc5: {  	v10 =	vld [tilespmem:s19+$0x3E40];
	v3 =	vmul.f32 v4, v3  }
0xc6: {  	[tilespmem:s19+$0x6670] =	vst v1;
	v1 =	vmul.f32 v6, v5;
	v6 =	vld [tilespmem:s19+$0x1640]  }
0xc7: {  	v4 =	vld [tilespmem:s19+$0x3E50];
	[tilespmem:s19+$0x6600] =	vst v3  }
0xc8: {  	v3 =	vld [tilespmem:s19+$0x1650];
	[tilespmem:s19+$0x6610] =	vst v1;
	v1 =	vmul.f32 v2, v7  }
0xc9: {  	v5 =	vld [tilespmem:s19+$0x3E60];
	v7 =	vmul.f32 v9, v8  }
0xca: {  	s22 =	simm.s32 $0x80;
	[tilespmem:s19+$0x6620] =	vst v1;
	v1 =	vld [tilespmem:s19+$0x1660]  }
0xcb: {  	s23 =	simm.s32 $0x400;
	v6 =	vmul.f32 v10, v6;
	v2 =	vld [tilespmem:s22+$0x1670];
	[tilespmem:s19+$0x6630] =	vst v7  }
.LBB2_7:
0xcc: {  	p1 =	sne.s32 s23, $0x4E00;
	v7 =	vld [tilespmem:s22+$0x3E70]  }
0xcd: {  	v8 =	vld [tilespmem:s22+$0x1600];
	[tilespmem:s19+$0x6640] =	vst v6;
	v3 =	vmul.f32 v4, v3  }
0xce: {  	v4 =	vld [tilespmem:s22+$0x3E00]  }
0xcf: {  	v6 =	vld [tilespmem:s22+$0x1610];
	[tilespmem:s19+$0x6650] =	vst v3;
	v1 =	vmul.f32 v5, v1  }
0xd0: {  	v3 =	vld [tilespmem:s22+$0x3E10]  }
0xd1: {  	v5 =	vld [tilespmem:s22+$0x1620];
	v2 =	vmul.f32 v7, v2;
	[tilespmem:s19+$0x6660] =	vst v1;
	s19 =	smov.u32 s22  }
0xd2: {  	v1 =	vld [tilespmem:s19+$0x3E20]  }
0xd3: {  	v4 =	vmul.f32 v4, v8;
	v7 =	vld [tilespmem:s19+$0x1630];
	[tilespmem:s19+$0x6670] =	vst v2  }
0xd4: {  	v2 =	vld [tilespmem:s19+$0x3E30]  }
0xd5: {  	[tilespmem:s19+$0x6600] =	vst v4;
	v3 =	vmul.f32 v3, v6;
	v6 =	vld [tilespmem:s19+$0x1640]  }
0xd6: {  	v8 =	vld [tilespmem:s19+$0x3E40]  }
.Ltmp4:
0xd7: {  	[tilespmem:s19+$0x6610] =	vst v3;
	v1 =	vmul.f32 v1, v5;
	v3 =	vld [tilespmem:s19+$0x1650];
	(pc) =	sbr.rel @p1 .LBB2_7-.Ltmp4, $4  }
0xd8: {  	v4 =	vld [tilespmem:s19+$0x3E50]  }
0xd9: {  	[tilespmem:s19+$0x6620] =	vst v1;
	v7 =	vmul.f32 v2, v7;
	v1 =	vld [tilespmem:s19+$0x1660]  }
0xda: {  	s22 =	sshra.s32 s23, $0x2;
	v5 =	vld [tilespmem:s19+$0x3E60]  }
0xdb: {  	s23 =	sadd.s32 $0x200, s23;
	v2 =	vld [tilespmem:s22+$0x1670];
	[tilespmem:s19+$0x6630] =	vst v7;
	v6 =	vmul.f32 v8, v6  }
0xdc: {  	v7 =	vld [tilespmem:s22+$0x3E70]  }
0xdd: {  	v8 =	vld [tilespmem:s22+$0x1600];
	[tilespmem:s19+$0x6640] =	vst v6;
	v3 =	vmul.f32 v4, v3  }
0xde: {  	v57 =	vld [tilespmem:s22+$0x3E00]  }
0xdf: {  	v6 =	vld [tilespmem:s22+$0x1610];
	[tilespmem:s19+$0x6650] =	vst v3;
	v1 =	vmul.f32 v5, v1  }
0xe0: {  	v3 =	vld [tilespmem:s22+$0x3E10]  }
0xe1: {  	v58 =	vld [tilespmem:s22+$0x1620];
	[tilespmem:s19+$0x6660] =	vst v1  }
0xe2: {  	v1 =	vmul.f32 v7, v2;
	v2 =	vld [tilespmem:s22+$0x3E20]  }
0xe3: {  	v59 =	vld [tilespmem:s22+$0x1630]  }
0xe4: {  	v60 =	vld [tilespmem:s22+$0x1640]  }
0xe5: {  	v61 =	vld [tilespmem:s22+$0x3E40]  }
0xe6: {  	v62 =	vld [tilespmem:s22+$0x3E50]  }
0xe7: {  	[tilespmem:s22+$0x6670] =	vst v1;
	v1 =	vld [tilespmem:s22+$0x3E30];
	v3 =	vmul.f32 v3, v6  }
0xe8: {  	v63 =	vld [tilespmem:s22+$0x3E60];
	v2 =	vmul.f32 v2, v58  }
0xe9: {  	[tilespmem:s22+$0x6610] =	vst v3;
	v3 =	vld [tilespmem:s22+$0x1650]  }
0xea: {  	[tilespmem:s22+$0x6620] =	vst v2;
	v2 =	vld [tilespmem:s22+$0x1660]  }
0xeb: {  	v4 =	vmul.f32 v57, v8  }
0xec: {  	v1 =	vmul.f32 v1, v59  }
0xed: {  	[tilespmem:s22+$0x6600] =	vst v4;
	v4 =	vmul.f32 v61, v60  }
0xee: {  	[tilespmem:s22+$0x6630] =	vst v1;
	v1 =	vmul.f32 v62, v3  }
0xef: {  	[tilespmem:s22+$0x6640] =	vst v4;
	v2 =	vmul.f32 v63, v2  }
.Ltmp5:
0xf0: {  	[tilespmem:s22+$0x6650] =	vst v1;
	(pc) =	sbr.rel @p0 .LBB2_10-.Ltmp5, $4  }
0xf1: {  	[tilespmem:s22+$0x6660] =	vst v2  }
0xf2: {  	_ =	swait.ge [sflag:s13], $0x50  }
0xf3: {  	[sflag:s13] =	ssyncset.done $0x0  }
0xf4: {  	[sflag:s13] =	ssyncadd.s32 $0xFFFFFFB0  }
0xf5: {  	p0 =	seq.s32 s18, $0x7D  }
.Ltmp6:
0xf6: {  	_ = 	snop;
	(pc) =	sbr.rel @!p0 .LBB2_4-.Ltmp6, $4  }
.Ltmp7:
0xf7: {  	_ = 	snop;
	(pc) =	sbr.rel @p0 .LBB2_11-.Ltmp7, $4  }
0xf8: {  	_ = 	snop  }
0xf9: {  	_ = 	snop  }
0xfa: {  	[spmem:s4] =	stream.indirect.scatter.add.f32 [tilespmem:s24], [sflag:$0x3], $0x80, s17, s14, $0xb8;
	[tilespmem:$0x1B280] =	vst v63  }
0xfb: {  	_ = 	snop  }
.LBB2_12:
0xfc: {  	_ =	sfence.sel $0x180000  }
0xfd: {  	[bflag:$0x0] =	sbarrier.arrive $0xFFFF  }
0xfe: {  	_ =	strace $0x9000004A  }
0xff: {  	s0 =	stileid.u32;
	[bflag:$0x2] =	sbarrier.arrive $0xFFFF  }
0x100: {  	p0 =	sne.s32 s0, $0x0;
	s0 =	rddreg [dreg:$0x4]  }
0x101: {  	s0 =	sadd.s32 @!p0 $0x100000, s0  }
0x102: {  	[sflag:s0] =	ssyncadd.tile.s32 @!p0 $0x1;
	_ =	shalt  }
.Lfunc_end2:
_tile_overlayer_lowered:
.L_overlay_start_2:
0x103: {  	(tag) =	ssettag $0x2  }
0x104: {  	s0 =	rddreg [dreg:$0x0];
	s2 =	stileid.u32  }
0x105: {  	s1 =	rddreg [dreg:$0x1];
	p0 =	sne.s32 s2, $0x0  }
0x106: {  	s3 =	rddreg [dreg:$0x2];
	[bflag:$0x3] =	sbarrier.arrive $0xFFFF;
	s2 =	simm.s32 @!p0 $0x1C06  }
0x107: {  	[timem:s3], [sflag:s2] =	dma.local @!p0 [hbm:s0], s1  }
0x108: {  	s0 =	simm.s32 @!p0 $0x6  }
0x109: {  	_ =	swait.ge @!p0 [sflag:s0], s1  }
0x10a: {  	s1 =	ssub.s32 @!p0 $0x0, s1;
	[sflag:s0] =	ssyncset.done @!p0 $0x0  }
0x10b: {  	[sflag:s0] =	ssyncadd.s32 @!p0 s1  }
0x10c: {  	[bflag:$0x3] =	sbarrier.arrive $0xFFFF  }
0x10d: {  	_ =	shalt  }

</sc_bundles>
